<compile_context>
chip_gen: v7x
topology: tpu7x:2x2x1
jax: 0.10.2.dev20260603
libtpu: 0.0.44.dev20260713+nightly
codegen_flags: <defaults>
</compile_context>

<pallas_src>
import functools

import jax
import jax.numpy as jnp
from jax import lax
from jax.experimental import pallas as pl
from jax.experimental.pallas import tpu as pltpu
from jax.experimental.pallas import tpu_sc as plsc

try:
    _info = plsc.get_sparse_core_info()
    _NC, _NS, _L = _info.num_cores, _info.num_subcores, _info.num_lanes
except Exception:
    _NC, _NS, _L = 2, 16, 16
_NW = _NC * _NS

_CHUNK = 128


def _dyn_gather(vec, idx):
    return lax.gather(
        vec, idx[:, None],
        dimension_numbers=lax.GatherDimensionNumbers(
            offset_dims=(), collapsed_slice_dims=(0,), start_index_map=(0,)),
        slice_sizes=(1,),
        mode=lax.GatherScatterMode.PROMISE_IN_BOUNDS)


@functools.partial(jax.jit, static_argnames=("seq", "d"))
def _embed(idx1d, tbl2, pos2d, *, seq, d):
    total = idx1d.shape[0]
    n_chunks = total // _CHUNK
    chunks_per_w = n_chunks // _NW
    per_w = chunks_per_w * _CHUNK
    mesh = plsc.VectorSubcoreMesh(core_axis_name="c", subcore_axis_name="s")

    @functools.partial(
        pl.kernel,
        mesh=mesh,
        out_type=jax.ShapeDtypeStruct((total, d), jnp.float32),
        scratch_types=[
            pltpu.VMEM((per_w,), jnp.int32),
            pltpu.VMEM((per_w,), jnp.int32),
            pltpu.VMEM((seq, d), jnp.float32),
            pltpu.VMEM((2, _CHUNK, 2 * d), jnp.float32),
            pltpu.VMEM((2, _CHUNK, d), jnp.float32),
            pltpu.SemaphoreType.DMA,
            pltpu.SemaphoreType.DMA,
        ],
        compiler_params=pltpu.CompilerParams(use_tc_tiling_on_sc=True,
                                             needs_layout_passes=False,
                                             disable_bounds_checks=True),
    )
    def body(idx_hbm, tbl_hbm, pos_hbm, out_hbm,
             row_v, off_v, pos_v, g_v, rows_v, gsem, osem):
        wid = lax.axis_index("s") * _NC + lax.axis_index("c")
        c0 = wid * chunks_per_w
        pltpu.sync_copy(pos_hbm, pos_v)
        pltpu.sync_copy(idx_hbm.at[pl.ds(wid * per_w, per_w)], row_v)

        def split_ids(i, carry):
            sl = pl.ds(i * _L, _L)
            v = row_v[sl]
            off_v[sl] = (v & 1) * d
            row_v[sl] = v >> 1
            return carry

        lax.fori_loop(0, per_w // _L, split_ids, 0, unroll=8)

        def fire_gather(j, buf):
            pltpu.async_copy(
                tbl_hbm.at[row_v.at[pl.ds(j * _CHUNK, _CHUNK)]],
                g_v.at[buf], gsem)

        def wait_gather(j, buf):
            pltpu.make_async_copy(
                tbl_hbm.at[row_v.at[pl.ds(j * _CHUNK, _CHUNK)]],
                g_v.at[buf], gsem).wait()

        def out_slice(j):
            return out_hbm.at[pl.ds((c0 + j) * _CHUNK, _CHUNK)]

        fire_gather(0, 0)
        fire_gather(1, 1)

        def step(j, carry):
            buf = lax.rem(j, 2)
            wait_gather(j, buf)

            @pl.when(j >= 2)
            def _():
                pltpu.make_async_copy(rows_v.at[buf], out_slice(j - 2),
                                      osem).wait()

            base = (c0 + j) * _CHUNK

            gbuf = g_v.at[buf]
            rbuf = rows_v.at[buf]
            lane_iota = lax.iota(jnp.int32, _L)

            @plsc.parallel_loop(0, _CHUNK, unroll=4)
            def _(r):
                hoff = _dyn_gather(
                    off_v[pl.ds(j * _CHUNK + (r // _L) * _L, _L)],
                    jnp.full((_L,), lax.rem(r, _L), jnp.int32))
                s = lax.rem(base + r, seq)
                rsplat = jnp.full((_L,), r, jnp.int32)
                for c in range(d // _L):
                    sl = pl.ds(c * _L, _L)
                    col = hoff + (c * _L + lane_iota)
                    val = plsc.load_gather(gbuf, [rsplat, col])
                    rbuf[r, sl] = val + pos_v[s, sl]
            pltpu.async_copy(rows_v.at[buf], out_slice(j), osem)

            @pl.when(j + 2 < chunks_per_w)
            def _():
                fire_gather(j + 2, buf)
            return carry

        lax.fori_loop(0, chunks_per_w, step, 0)
        pltpu.make_async_copy(rows_v.at[0], out_slice(chunks_per_w - 2),
                              osem).wait()
        pltpu.make_async_copy(rows_v.at[1], out_slice(chunks_per_w - 1),
                              osem).wait()

    return body(idx1d, tbl2, pos2d)


def kernel(inputs, token_table, pos_table):
    b, s = inputs.shape
    v, d = token_table.shape
    total = b * s
    n_chunks = total // _CHUNK
    assert total % _CHUNK == 0 and n_chunks % _NW == 0
    assert (n_chunks // _NW) % 2 == 0 and v % 2 == 0 and d % _L == 0

    idx1d = inputs.reshape(total).astype(jnp.int32)
    tbl2 = (token_table.T.reshape(d, v // 2, 2)
            .transpose(1, 2, 0).reshape(v // 2, 2 * d))
    out = _embed(idx1d, tbl2, pos_table, seq=s, d=d)
    return out.reshape(b, s, d)

# --- scband reference (transcript-rebuilt; emitter-appended) ---
"""Pipeline reference for scband-positional-embedding-7481833029657 (READ-ONLY COPY).

The authoritative reference and input builder live on the scoring server;
editing this copy changes nothing except your own understanding.
"""

import jax, jax.numpy as jnp
import numpy as np

SEQ_LEN = 200
VOCAB = 1000000
EMBED = 64
BATCH = 1024

def setup_inputs(seed: int = 0) -> dict:
    key = jax.random.key(seed)
    k1, k2, k3 = jax.random.split(key, 3)
    inputs = jax.random.randint(k1, (BATCH, SEQ_LEN), 0, VOCAB, dtype=jnp.int64 if jax.config.jax_enable_x64 else jnp.int32)
    token_table = jax.random.normal(k2, (VOCAB, EMBED), dtype=jnp.float32) * 0.02
    pos_table = jax.random.normal(k3, (SEQ_LEN, EMBED), dtype=jnp.float32) * 0.02
    return {"inputs": inputs, "token_table": token_table, "pos_table": pos_table}

def reference(inputs, token_table, pos_table):
    length = inputs.shape[-1]
    positions = jnp.arange(0, length, 1)
    embedded_tokens = jnp.take(token_table, inputs, axis=0)
    embedded_positions = jnp.take(pos_table, positions, axis=0)
    return embedded_tokens + embedded_positions

if __name__ == "__main__":
    import jax
    _d = setup_inputs()
    print(jax.jit(kernel)(*tuple(_d.values())))

</pallas_src>

<mosaic_0001>
#map = affine_map<(d0, d1) -> (0)>
#map1 = affine_map<(d0, d1) -> (0, 0)>
module attributes {stable_mosaic.version = 14 : i64} {
  func.func @body(%arg0: i32, %arg1: i32, %arg2: memref<204800xi32, #tpu.memory_space<hbm>>, %arg3: memref<500000x128xf32, #tpu.memory_space<hbm>>, %arg4: memref<200x64xf32, #tpu.memory_space<hbm>>, %arg5: memref<204800x64xf32, #tpu.memory_space<hbm>>, %arg6: memref<6400xi32, #tpu.memory_space<vmem>>, %arg7: memref<6400xi32, #tpu.memory_space<vmem>>, %arg8: memref<200x64xf32, #tpu.memory_space<vmem>>, %arg9: memref<2x128x128xf32, #tpu.memory_space<vmem>>, %arg10: memref<2x128x64xf32, #tpu.memory_space<vmem>>, %arg11: memref<!tpu.dma_semaphore, #tpu.memory_space<semaphore_mem>>, %arg12: memref<!tpu.dma_semaphore, #tpu.memory_space<semaphore_mem>>) attributes {dimension_semantics = [#tpu.dimension_semantics<core_parallel>, #tpu.dimension_semantics<subcore_parallel>], iteration_bounds = array<i64: 2, 16>, scalar_prefetch = 0 : i64, scratch_operands = 7 : i64, tpu.core_type = #tpu.core_type<sc_vector_subcore>, window_params = [{transform_indices = #map}, {transform_indices = #map1}, {transform_indices = #map1}, {transform_indices = #map1}]} {
    %mul3A = arith.constant 2 : i32
    %mul3A_0 = arith.muli %arg1, %mul3A : i32
    %add3A = arith.addi %mul3A_0, %arg0 : i32
    %mul3A_1 = arith.constant 50 : i32
    %mul3A_2 = arith.muli %add3A, %mul3A_1 : i32
    "tpu.region"() ({
      %run_scoped3A = tpu.sem_alloc : memref<!tpu.dma_semaphore, #tpu.memory_space<semaphore_mem>>
      tpu.enqueue_dma source(%arg4 : memref<200x64xf32, #tpu.memory_space<hbm>>) target(%arg8 : memref<200x64xf32, #tpu.memory_space<vmem>>) target_semaphore(%run_scoped3A : memref<!tpu.dma_semaphore, #tpu.memory_space<semaphore_mem>>)
      tpu.wait_dma2 semaphore(%run_scoped3A : memref<!tpu.dma_semaphore, #tpu.memory_space<semaphore_mem>>) src(%arg4 : memref<200x64xf32, #tpu.memory_space<hbm>>) dst(%arg8 : memref<200x64xf32, #tpu.memory_space<vmem>>)
      tpu.yield
    }) : () -> ()
    %mul3A_3 = arith.constant 6400 : i32
    %mul3A_4 = arith.muli %add3A, %mul3A_3 : i32
    "tpu.region"() ({
      %run_scoped3A = tpu.sem_alloc : memref<!tpu.dma_semaphore, #tpu.memory_space<semaphore_mem>>
      %dma_start3A_68 = tpu.memref_slice %arg2[%mul3A_4] : memref<204800xi32, #tpu.memory_space<hbm>> -> memref<6400xi32, #tpu.memory_space<hbm>>
      %dma_start3A_69 = tpu.memref_slice %arg2[%mul3A_4] : memref<204800xi32, #tpu.memory_space<hbm>> -> memref<6400xi32, #tpu.memory_space<hbm>>
      tpu.enqueue_dma source(%dma_start3A_69 : memref<6400xi32, #tpu.memory_space<hbm>>) target(%arg6 : memref<6400xi32, #tpu.memory_space<vmem>>) target_semaphore(%run_scoped3A : memref<!tpu.dma_semaphore, #tpu.memory_space<semaphore_mem>>)
      %dma_wait3A_70 = tpu.memref_slice %arg2[%mul3A_4] : memref<204800xi32, #tpu.memory_space<hbm>> -> memref<6400xi32, #tpu.memory_space<hbm>>
      %dma_wait3A_71 = tpu.memref_slice %arg2[%mul3A_4] : memref<204800xi32, #tpu.memory_space<hbm>> -> memref<6400xi32, #tpu.memory_space<hbm>>
      tpu.wait_dma2 semaphore(%run_scoped3A : memref<!tpu.dma_semaphore, #tpu.memory_space<semaphore_mem>>) src(%dma_wait3A_71 : memref<6400xi32, #tpu.memory_space<hbm>>) dst(%arg6 : memref<6400xi32, #tpu.memory_space<vmem>>)
      tpu.yield
    }) : () -> ()
    %scan3A = arith.constant 0 : i32
    %scan3A_5 = arith.constant 0 : i32
    %scan3A_6 = arith.constant 400 : i32
    %scan3A_7 = arith.addi %scan3A_5, %scan3A_6 : i32
    %scan3A_8 = arith.constant 8 : i32
    scf.for %scan3A_68 = %scan3A_5 to %scan3A_7 step %scan3A_8  : i32 {
      %mul3A_69 = arith.constant 16 : i32
      %mul3A_70 = arith.muli %scan3A_68, %mul3A_69 : i32
      %get3A = arith.index_cast %mul3A_70 : i32 to index
      %get3A_71 = tpu.vector_load %arg6[%get3A] {strides = array<i32>} : memref<6400xi32, #tpu.memory_space<vmem>>, vector<16xi32>,
      %and3A = arith.constant 1 : i32
      %and3A_72 = vector.broadcast %and3A : i32 to vector<16xi32>
      %and3A_73 = arith.andi %get3A_71, %and3A_72 : vector<16xi32>
      %mul3A_74 = arith.constant 64 : i32
      %mul3A_75 = vector.broadcast %mul3A_74 : i32 to vector<16xi32>
      %mul3A_76 = arith.muli %and3A_73, %mul3A_75 : vector<16xi32>
      %swap3A = arith.index_cast %mul3A_70 : i32 to index
      %swap3A_77 = tpu.vector_load %arg7[%swap3A] {strides = array<i32>} : memref<6400xi32, #tpu.memory_space<vmem>>, vector<16xi32>,
      tpu.vector_store %arg7[%swap3A], %mul3A_76 {strides = array<i32>} : memref<6400xi32, #tpu.memory_space<vmem>>, vector<16xi32>,
      %shift_right_arithmetic3A = arith.constant 1 : i32
      %shift_right_arithmetic3A_78 = vector.broadcast %shift_right_arithmetic3A : i32 to vector<16xi32>
      %shift_right_arithmetic3A_79 = arith.shrsi %get3A_71, %shift_right_arithmetic3A_78 : vector<16xi32>
      %swap3A_80 = arith.index_cast %mul3A_70 : i32 to index
      %swap3A_81 = tpu.vector_load %arg6[%swap3A_80] {strides = array<i32>} : memref<6400xi32, #tpu.memory_space<vmem>>, vector<16xi32>,
      tpu.vector_store %arg6[%swap3A_80], %shift_right_arithmetic3A_79 {strides = array<i32>} : memref<6400xi32, #tpu.memory_space<vmem>>, vector<16xi32>,
      %scan3A_82 = arith.constant 1 : i32
      %scan3A_83 = arith.addi %scan3A_68, %scan3A_82 : i32
      %mul3A_84 = arith.constant 16 : i32
      %mul3A_85 = arith.muli %scan3A_83, %mul3A_84 : i32
      %get3A_86 = arith.index_cast %mul3A_85 : i32 to index
      %get3A_87 = tpu.vector_load %arg6[%get3A_86] {strides = array<i32>} : memref<6400xi32, #tpu.memory_space<vmem>>, vector<16xi32>,
      %and3A_88 = arith.constant 1 : i32
      %and3A_89 = vector.broadcast %and3A_88 : i32 to vector<16xi32>
      %and3A_90 = arith.andi %get3A_87, %and3A_89 : vector<16xi32>
      %mul3A_91 = arith.constant 64 : i32
      %mul3A_92 = vector.broadcast %mul3A_91 : i32 to vector<16xi32>
      %mul3A_93 = arith.muli %and3A_90, %mul3A_92 : vector<16xi32>
      %swap3A_94 = arith.index_cast %mul3A_85 : i32 to index
      %swap3A_95 = tpu.vector_load %arg7[%swap3A_94] {strides = array<i32>} : memref<6400xi32, #tpu.memory_space<vmem>>, vector<16xi32>,
      tpu.vector_store %arg7[%swap3A_94], %mul3A_93 {strides = array<i32>} : memref<6400xi32, #tpu.memory_space<vmem>>, vector<16xi32>,
      %shift_right_arithmetic3A_96 = arith.constant 1 : i32
      %shift_right_arithmetic3A_97 = vector.broadcast %shift_right_arithmetic3A_96 : i32 to vector<16xi32>
      %shift_right_arithmetic3A_98 = arith.shrsi %get3A_87, %shift_right_arithmetic3A_97 : vector<16xi32>
      %swap3A_99 = arith.index_cast %mul3A_85 : i32 to index
      %swap3A_100 = tpu.vector_load %arg6[%swap3A_99] {strides = array<i32>} : memref<6400xi32, #tpu.memory_space<vmem>>, vector<16xi32>,
      tpu.vector_store %arg6[%swap3A_99], %shift_right_arithmetic3A_98 {strides = array<i32>} : memref<6400xi32, #tpu.memory_space<vmem>>, vector<16xi32>,
      %scan3A_101 = arith.constant 2 : i32
      %scan3A_102 = arith.addi %scan3A_68, %scan3A_101 : i32
      %mul3A_103 = arith.constant 16 : i32
      %mul3A_104 = arith.muli %scan3A_102, %mul3A_103 : i32
      %get3A_105 = arith.index_cast %mul3A_104 : i32 to index
      %get3A_106 = tpu.vector_load %arg6[%get3A_105] {strides = array<i32>} : memref<6400xi32, #tpu.memory_space<vmem>>, vector<16xi32>,
      %and3A_107 = arith.constant 1 : i32
      %and3A_108 = vector.broadcast %and3A_107 : i32 to vector<16xi32>
      %and3A_109 = arith.andi %get3A_106, %and3A_108 : vector<16xi32>
      %mul3A_110 = arith.constant 64 : i32
      %mul3A_111 = vector.broadcast %mul3A_110 : i32 to vector<16xi32>
      %mul3A_112 = arith.muli %and3A_109, %mul3A_111 : vector<16xi32>
      %swap3A_113 = arith.index_cast %mul3A_104 : i32 to index
      %swap3A_114 = tpu.vector_load %arg7[%swap3A_113] {strides = array<i32>} : memref<6400xi32, #tpu.memory_space<vmem>>, vector<16xi32>,
      tpu.vector_store %arg7[%swap3A_113], %mul3A_112 {strides = array<i32>} : memref<6400xi32, #tpu.memory_space<vmem>>, vector<16xi32>,
      %shift_right_arithmetic3A_115 = arith.constant 1 : i32
      %shift_right_arithmetic3A_116 = vector.broadcast %shift_right_arithmetic3A_115 : i32 to vector<16xi32>
      %shift_right_arithmetic3A_117 = arith.shrsi %get3A_106, %shift_right_arithmetic3A_116 : vector<16xi32>
      %swap3A_118 = arith.index_cast %mul3A_104 : i32 to index
      %swap3A_119 = tpu.vector_load %arg6[%swap3A_118] {strides = array<i32>} : memref<6400xi32, #tpu.memory_space<vmem>>, vector<16xi32>,
      tpu.vector_store %arg6[%swap3A_118], %shift_right_arithmetic3A_117 {strides = array<i32>} : memref<6400xi32, #tpu.memory_space<vmem>>, vector<16xi32>,
      %scan3A_120 = arith.constant 3 : i32
      %scan3A_121 = arith.addi %scan3A_68, %scan3A_120 : i32
      %mul3A_122 = arith.constant 16 : i32
      %mul3A_123 = arith.muli %scan3A_121, %mul3A_122 : i32
      %get3A_124 = arith.index_cast %mul3A_123 : i32 to index
      %get3A_125 = tpu.vector_load %arg6[%get3A_124] {strides = array<i32>} : memref<6400xi32, #tpu.memory_space<vmem>>, vector<16xi32>,
      %and3A_126 = arith.constant 1 : i32
      %and3A_127 = vector.broadcast %and3A_126 : i32 to vector<16xi32>
      %and3A_128 = arith.andi %get3A_125, %and3A_127 : vector<16xi32>
      %mul3A_129 = arith.constant 64 : i32
      %mul3A_130 = vector.broadcast %mul3A_129 : i32 to vector<16xi32>
      %mul3A_131 = arith.muli %and3A_128, %mul3A_130 : vector<16xi32>
      %swap3A_132 = arith.index_cast %mul3A_123 : i32 to index
      %swap3A_133 = tpu.vector_load %arg7[%swap3A_132] {strides = array<i32>} : memref<6400xi32, #tpu.memory_space<vmem>>, vector<16xi32>,
      tpu.vector_store %arg7[%swap3A_132], %mul3A_131 {strides = array<i32>} : memref<6400xi32, #tpu.memory_space<vmem>>, vector<16xi32>,
      %shift_right_arithmetic3A_134 = arith.constant 1 : i32
      %shift_right_arithmetic3A_135 = vector.broadcast %shift_right_arithmetic3A_134 : i32 to vector<16xi32>
      %shift_right_arithmetic3A_136 = arith.shrsi %get3A_125, %shift_right_arithmetic3A_135 : vector<16xi32>
      %swap3A_137 = arith.index_cast %mul3A_123 : i32 to index
      %swap3A_138 = tpu.vector_load %arg6[%swap3A_137] {strides = array<i32>} : memref<6400xi32, #tpu.memory_space<vmem>>, vector<16xi32>,
      tpu.vector_store %arg6[%swap3A_137], %shift_right_arithmetic3A_136 {strides = array<i32>} : memref<6400xi32, #tpu.memory_space<vmem>>, vector<16xi32>,
      %scan3A_139 = arith.constant 4 : i32
      %scan3A_140 = arith.addi %scan3A_68, %scan3A_139 : i32
      %mul3A_141 = arith.constant 16 : i32
      %mul3A_142 = arith.muli %scan3A_140, %mul3A_141 : i32
      %get3A_143 = arith.index_cast %mul3A_142 : i32 to index
      %get3A_144 = tpu.vector_load %arg6[%get3A_143] {strides = array<i32>} : memref<6400xi32, #tpu.memory_space<vmem>>, vector<16xi32>,
      %and3A_145 = arith.constant 1 : i32
      %and3A_146 = vector.broadcast %and3A_145 : i32 to vector<16xi32>
      %and3A_147 = arith.andi %get3A_144, %and3A_146 : vector<16xi32>
      %mul3A_148 = arith.constant 64 : i32
      %mul3A_149 = vector.broadcast %mul3A_148 : i32 to vector<16xi32>
      %mul3A_150 = arith.muli %and3A_147, %mul3A_149 : vector<16xi32>
      %swap3A_151 = arith.index_cast %mul3A_142 : i32 to index
      %swap3A_152 = tpu.vector_load %arg7[%swap3A_151] {strides = array<i32>} : memref<6400xi32, #tpu.memory_space<vmem>>, vector<16xi32>,
      tpu.vector_store %arg7[%swap3A_151], %mul3A_150 {strides = array<i32>} : memref<6400xi32, #tpu.memory_space<vmem>>, vector<16xi32>,
      %shift_right_arithmetic3A_153 = arith.constant 1 : i32
      %shift_right_arithmetic3A_154 = vector.broadcast %shift_right_arithmetic3A_153 : i32 to vector<16xi32>
      %shift_right_arithmetic3A_155 = arith.shrsi %get3A_144, %shift_right_arithmetic3A_154 : vector<16xi32>
      %swap3A_156 = arith.index_cast %mul3A_142 : i32 to index
      %swap3A_157 = tpu.vector_load %arg6[%swap3A_156] {strides = array<i32>} : memref<6400xi32, #tpu.memory_space<vmem>>, vector<16xi32>,
      tpu.vector_store %arg6[%swap3A_156], %shift_right_arithmetic3A_155 {strides = array<i32>} : memref<6400xi32, #tpu.memory_space<vmem>>, vector<16xi32>,
      %scan3A_158 = arith.constant 5 : i32
      %scan3A_159 = arith.addi %scan3A_68, %scan3A_158 : i32
      %mul3A_160 = arith.constant 16 : i32
      %mul3A_161 = arith.muli %scan3A_159, %mul3A_160 : i32
      %get3A_162 = arith.index_cast %mul3A_161 : i32 to index
      %get3A_163 = tpu.vector_load %arg6[%get3A_162] {strides = array<i32>} : memref<6400xi32, #tpu.memory_space<vmem>>, vector<16xi32>,
      %and3A_164 = arith.constant 1 : i32
      %and3A_165 = vector.broadcast %and3A_164 : i32 to vector<16xi32>
      %and3A_166 = arith.andi %get3A_163, %and3A_165 : vector<16xi32>
      %mul3A_167 = arith.constant 64 : i32
      %mul3A_168 = vector.broadcast %mul3A_167 : i32 to vector<16xi32>
      %mul3A_169 = arith.muli %and3A_166, %mul3A_168 : vector<16xi32>
      %swap3A_170 = arith.index_cast %mul3A_161 : i32 to index
      %swap3A_171 = tpu.vector_load %arg7[%swap3A_170] {strides = array<i32>} : memref<6400xi32, #tpu.memory_space<vmem>>, vector<16xi32>,
      tpu.vector_store %arg7[%swap3A_170], %mul3A_169 {strides = array<i32>} : memref<6400xi32, #tpu.memory_space<vmem>>, vector<16xi32>,
      %shift_right_arithmetic3A_172 = arith.constant 1 : i32
      %shift_right_arithmetic3A_173 = vector.broadcast %shift_right_arithmetic3A_172 : i32 to vector<16xi32>
      %shift_right_arithmetic3A_174 = arith.shrsi %get3A_163, %shift_right_arithmetic3A_173 : vector<16xi32>
      %swap3A_175 = arith.index_cast %mul3A_161 : i32 to index
      %swap3A_176 = tpu.vector_load %arg6[%swap3A_175] {strides = array<i32>} : memref<6400xi32, #tpu.memory_space<vmem>>, vector<16xi32>,
      tpu.vector_store %arg6[%swap3A_175], %shift_right_arithmetic3A_174 {strides = array<i32>} : memref<6400xi32, #tpu.memory_space<vmem>>, vector<16xi32>,
      %scan3A_177 = arith.constant 6 : i32
      %scan3A_178 = arith.addi %scan3A_68, %scan3A_177 : i32
      %mul3A_179 = arith.constant 16 : i32
      %mul3A_180 = arith.muli %scan3A_178, %mul3A_179 : i32
      %get3A_181 = arith.index_cast %mul3A_180 : i32 to index
      %get3A_182 = tpu.vector_load %arg6[%get3A_181] {strides = array<i32>} : memref<6400xi32, #tpu.memory_space<vmem>>, vector<16xi32>,
      %and3A_183 = arith.constant 1 : i32
      %and3A_184 = vector.broadcast %and3A_183 : i32 to vector<16xi32>
      %and3A_185 = arith.andi %get3A_182, %and3A_184 : vector<16xi32>
      %mul3A_186 = arith.constant 64 : i32
      %mul3A_187 = vector.broadcast %mul3A_186 : i32 to vector<16xi32>
      %mul3A_188 = arith.muli %and3A_185, %mul3A_187 : vector<16xi32>
      %swap3A_189 = arith.index_cast %mul3A_180 : i32 to index
      %swap3A_190 = tpu.vector_load %arg7[%swap3A_189] {strides = array<i32>} : memref<6400xi32, #tpu.memory_space<vmem>>, vector<16xi32>,
      tpu.vector_store %arg7[%swap3A_189], %mul3A_188 {strides = array<i32>} : memref<6400xi32, #tpu.memory_space<vmem>>, vector<16xi32>,
      %shift_right_arithmetic3A_191 = arith.constant 1 : i32
      %shift_right_arithmetic3A_192 = vector.broadcast %shift_right_arithmetic3A_191 : i32 to vector<16xi32>
      %shift_right_arithmetic3A_193 = arith.shrsi %get3A_182, %shift_right_arithmetic3A_192 : vector<16xi32>
      %swap3A_194 = arith.index_cast %mul3A_180 : i32 to index
      %swap3A_195 = tpu.vector_load %arg6[%swap3A_194] {strides = array<i32>} : memref<6400xi32, #tpu.memory_space<vmem>>, vector<16xi32>,
      tpu.vector_store %arg6[%swap3A_194], %shift_right_arithmetic3A_193 {strides = array<i32>} : memref<6400xi32, #tpu.memory_space<vmem>>, vector<16xi32>,
      %scan3A_196 = arith.constant 7 : i32
      %scan3A_197 = arith.addi %scan3A_68, %scan3A_196 : i32
      %mul3A_198 = arith.constant 16 : i32
      %mul3A_199 = arith.muli %scan3A_197, %mul3A_198 : i32
      %get3A_200 = arith.index_cast %mul3A_199 : i32 to index
      %get3A_201 = tpu.vector_load %arg6[%get3A_200] {strides = array<i32>} : memref<6400xi32, #tpu.memory_space<vmem>>, vector<16xi32>,
      %and3A_202 = arith.constant 1 : i32
      %and3A_203 = vector.broadcast %and3A_202 : i32 to vector<16xi32>
      %and3A_204 = arith.andi %get3A_201, %and3A_203 : vector<16xi32>
      %mul3A_205 = arith.constant 64 : i32
      %mul3A_206 = vector.broadcast %mul3A_205 : i32 to vector<16xi32>
      %mul3A_207 = arith.muli %and3A_204, %mul3A_206 : vector<16xi32>
      %swap3A_208 = arith.index_cast %mul3A_199 : i32 to index
      %swap3A_209 = tpu.vector_load %arg7[%swap3A_208] {strides = array<i32>} : memref<6400xi32, #tpu.memory_space<vmem>>, vector<16xi32>,
      tpu.vector_store %arg7[%swap3A_208], %mul3A_207 {strides = array<i32>} : memref<6400xi32, #tpu.memory_space<vmem>>, vector<16xi32>,
      %shift_right_arithmetic3A_210 = arith.constant 1 : i32
      %shift_right_arithmetic3A_211 = vector.broadcast %shift_right_arithmetic3A_210 : i32 to vector<16xi32>
      %shift_right_arithmetic3A_212 = arith.shrsi %get3A_201, %shift_right_arithmetic3A_211 : vector<16xi32>
      %swap3A_213 = arith.index_cast %mul3A_199 : i32 to index
      %swap3A_214 = tpu.vector_load %arg6[%swap3A_213] {strides = array<i32>} : memref<6400xi32, #tpu.memory_space<vmem>>, vector<16xi32>,
      tpu.vector_store %arg6[%swap3A_213], %shift_right_arithmetic3A_212 {strides = array<i32>} : memref<6400xi32, #tpu.memory_space<vmem>>, vector<16xi32>,
    }
    %scan3A_9 = arith.constant 400 : i32
    %dma_start3A = arith.constant 0 : i32
    %dma_start3A_10 = arith.constant 0 : i32
    %dma_start3A_11 = arith.constant 0 : i32
    %dma_start3A_12 = tpu.memref_slice %arg9[%dma_start3A, %dma_start3A_10, %dma_start3A_11] : memref<2x128x128xf32, #tpu.memory_space<vmem>> -> memref<1x128x128xf32, #tpu.memory_space<vmem>>
    %dma_start3A_13 = tpu.memref_squeeze %dma_start3A_12 : memref<1x128x128xf32, #tpu.memory_space<vmem>> -> memref<128x128xf32, #tpu.memory_space<vmem>>
    %dma_start3A_14 = arith.constant 0 : i32
    %dma_start3A_15 = tpu.memref_slice %arg6[%dma_start3A_14] : memref<6400xi32, #tpu.memory_space<vmem>> -> memref<128xi32, #tpu.memory_space<vmem>>
    %dma_start3A_16 = arith.constant 0 : i32
    %dma_start3A_17 = arith.constant 0 : i32
    %dma_start3A_18 = tpu.memref_slice %arg3[%dma_start3A_16, %dma_start3A_17] : memref<500000x128xf32, #tpu.memory_space<hbm>> -> memref<500000x128xf32, #tpu.memory_space<hbm>>
    tpu.enqueue_indirect_dma source(%dma_start3A_18 : memref<500000x128xf32, #tpu.memory_space<hbm>>) target(%dma_start3A_13 : memref<128x128xf32, #tpu.memory_space<vmem>>) offsets(%dma_start3A_15 : memref<128xi32, #tpu.memory_space<vmem>>) semaphore(%arg11 : memref<!tpu.dma_semaphore, #tpu.memory_space<semaphore_mem>>)
    %dma_start3A_19 = arith.constant 1 : i32
    %dma_start3A_20 = arith.constant 0 : i32
    %dma_start3A_21 = arith.constant 0 : i32
    %dma_start3A_22 = tpu.memref_slice %arg9[%dma_start3A_19, %dma_start3A_20, %dma_start3A_21] : memref<2x128x128xf32, #tpu.memory_space<vmem>> -> memref<1x128x128xf32, #tpu.memory_space<vmem>>
    %dma_start3A_23 = tpu.memref_squeeze %dma_start3A_22 : memref<1x128x128xf32, #tpu.memory_space<vmem>> -> memref<128x128xf32, #tpu.memory_space<vmem>>
    %dma_start3A_24 = arith.constant 128 : i32
    %dma_start3A_25 = tpu.memref_slice %arg6[%dma_start3A_24] : memref<6400xi32, #tpu.memory_space<vmem>> -> memref<128xi32, #tpu.memory_space<vmem>>
    %dma_start3A_26 = arith.constant 0 : i32
    %dma_start3A_27 = arith.constant 0 : i32
    %dma_start3A_28 = tpu.memref_slice %arg3[%dma_start3A_26, %dma_start3A_27] : memref<500000x128xf32, #tpu.memory_space<hbm>> -> memref<500000x128xf32, #tpu.memory_space<hbm>>
    tpu.enqueue_indirect_dma source(%dma_start3A_28 : memref<500000x128xf32, #tpu.memory_space<hbm>>) target(%dma_start3A_23 : memref<128x128xf32, #tpu.memory_space<vmem>>) offsets(%dma_start3A_25 : memref<128xi32, #tpu.memory_space<vmem>>) semaphore(%arg11 : memref<!tpu.dma_semaphore, #tpu.memory_space<semaphore_mem>>)
    %scan3A_29 = arith.constant 0 : i32
    %scan3A_30 = arith.constant 0 : i32
    %scan3A_31 = arith.constant 50 : i32
    %scan3A_32 = arith.addi %scan3A_30, %scan3A_31 : i32
    %scan3A_33 = arith.constant 1 : i32
    scf.for %scan3A_68 = %scan3A_30 to %scan3A_32 step %scan3A_33  : i32 {
      %rem3A = arith.constant 2 : i32
      %rem3A_69 = arith.remsi %scan3A_68, %rem3A : i32
      %mul3A_70 = arith.constant 128 : i32
      %mul3A_71 = arith.muli %scan3A_68, %mul3A_70 : i32
      %dma_wait3A_72 = arith.constant 0 : i32
      %dma_wait3A_73 = arith.constant 0 : i32
      %dma_wait3A_74 = tpu.memref_slice %arg9[%rem3A_69, %dma_wait3A_72, %dma_wait3A_73] : memref<2x128x128xf32, #tpu.memory_space<vmem>> -> memref<1x128x128xf32, #tpu.memory_space<vmem>>
      %dma_wait3A_75 = tpu.memref_squeeze %dma_wait3A_74 : memref<1x128x128xf32, #tpu.memory_space<vmem>> -> memref<128x128xf32, #tpu.memory_space<vmem>>
      %dma_wait3A_76 = tpu.memref_slice %arg6[%mul3A_71] : memref<6400xi32, #tpu.memory_space<vmem>> -> memref<128xi32, #tpu.memory_space<vmem>>
      %dma_wait3A_77 = arith.constant 0 : i32
      %dma_wait3A_78 = arith.constant 0 : i32
      %dma_wait3A_79 = tpu.memref_slice %arg3[%dma_wait3A_77, %dma_wait3A_78] : memref<500000x128xf32, #tpu.memory_space<hbm>> -> memref<500000x128xf32, #tpu.memory_space<hbm>>
      tpu.wait_indirect_dma semaphore(%arg11 : memref<!tpu.dma_semaphore, #tpu.memory_space<semaphore_mem>>) src(%dma_wait3A_79 : memref<500000x128xf32, #tpu.memory_space<hbm>>) dst(%dma_wait3A_75 : memref<128x128xf32, #tpu.memory_space<vmem>>)
      %ge3A = arith.constant 2 : i32
      %ge3A_80 = arith.cmpi sge, %scan3A_68, %ge3A : i32
      %convert_element_type3A = arith.extui %ge3A_80 : i1 to i32
      %cond3A = arith.constant 0 : i32
      %cond3A_81 = arith.cmpi ne, %convert_element_type3A, %cond3A : i32
      scf.if %cond3A_81 {
        %sub3A = arith.constant 2 : i32
        %sub3A_108 = arith.subi %scan3A_68, %sub3A : i32
        %add3A_109 = arith.addi %mul3A_2, %sub3A_108 : i32
        %mul3A_110 = arith.constant 128 : i32
        %mul3A_111 = arith.muli %add3A_109, %mul3A_110 : i32
        %dma_wait3A_112 = arith.constant 0 : i32
        %dma_wait3A_113 = arith.constant 0 : i32
        %dma_wait3A_114 = tpu.memref_slice %arg10[%rem3A_69, %dma_wait3A_112, %dma_wait3A_113] : memref<2x128x64xf32, #tpu.memory_space<vmem>> -> memref<1x128x64xf32, #tpu.memory_space<vmem>>
        %dma_wait3A_115 = tpu.memref_squeeze %dma_wait3A_114 : memref<1x128x64xf32, #tpu.memory_space<vmem>> -> memref<128x64xf32, #tpu.memory_space<vmem>>
        %dma_wait3A_116 = arith.constant 0 : i32
        %dma_wait3A_117 = tpu.memref_slice %arg5[%mul3A_111, %dma_wait3A_116] : memref<204800x64xf32, #tpu.memory_space<hbm>> -> memref<128x64xf32, #tpu.memory_space<hbm>>
        %dma_wait3A_118 = arith.constant 0 : i32
        %dma_wait3A_119 = tpu.memref_slice %arg5[%mul3A_111, %dma_wait3A_118] : memref<204800x64xf32, #tpu.memory_space<hbm>> -> memref<128x64xf32, #tpu.memory_space<hbm>>
        %dma_wait3A_120 = arith.constant 0 : i32
        %dma_wait3A_121 = arith.constant 0 : i32
        %dma_wait3A_122 = tpu.memref_slice %arg10[%rem3A_69, %dma_wait3A_120, %dma_wait3A_121] : memref<2x128x64xf32, #tpu.memory_space<vmem>> -> memref<1x128x64xf32, #tpu.memory_space<vmem>>
        %dma_wait3A_123 = tpu.memref_squeeze %dma_wait3A_122 : memref<1x128x64xf32, #tpu.memory_space<vmem>> -> memref<128x64xf32, #tpu.memory_space<vmem>>
        tpu.wait_dma2 semaphore(%arg12 : memref<!tpu.dma_semaphore, #tpu.memory_space<semaphore_mem>>) src(%dma_wait3A_123 : memref<128x64xf32, #tpu.memory_space<vmem>>) dst(%dma_wait3A_119 : memref<128x64xf32, #tpu.memory_space<hbm>>)
      } else {
      }
      %add3A_82 = arith.addi %mul3A_2, %scan3A_68 : i32
      %mul3A_83 = arith.constant 128 : i32
      %mul3A_84 = arith.muli %add3A_82, %mul3A_83 : i32
      %iota3A = tpu.iota {dimensions = array<i32: 0>} : vector<16xi32>
      %parallel_loop3A = arith.constant 0 : i32
      %parallel_loop3A_85 = arith.constant 128 : i32
      %parallel_loop3A_86 = arith.constant 1 : i32
      scf.for %parallel_loop3A_108 = %parallel_loop3A to %parallel_loop3A_85 step %parallel_loop3A_86  : i32 {
        %parallel_loop3A_109 = arith.constant 128 : i32
        %parallel_loop3A_110 = arith.muli %scan3A_68, %parallel_loop3A_109 : i32
        %parallel_loop3A_111 = arith.constant 16 : i32
        %parallel_loop3A_112 = arith.divsi %parallel_loop3A_108, %parallel_loop3A_111 : i32
        %parallel_loop3A_113 = arith.constant 0 : i32
        %parallel_loop3A_114 = arith.cmpi sgt, %parallel_loop3A_108, %parallel_loop3A_113 : i32
        %parallel_loop3A_115 = arith.extui %parallel_loop3A_114 : i1 to i32
        %parallel_loop3A_116 = arith.constant 0 : i32
        %parallel_loop3A_117 = arith.cmpi slt, %parallel_loop3A_108, %parallel_loop3A_116 : i32
        %parallel_loop3A_118 = arith.extui %parallel_loop3A_117 : i1 to i32
        %parallel_loop3A_119 = arith.subi %parallel_loop3A_115, %parallel_loop3A_118 : i32
        %parallel_loop3A_120 = arith.constant 0 : i32
        %parallel_loop3A_121 = arith.cmpi sgt, %parallel_loop3A_111, %parallel_loop3A_120 : i32
        %parallel_loop3A_122 = arith.extui %parallel_loop3A_121 : i1 to i32
        %parallel_loop3A_123 = arith.constant 0 : i32
        %parallel_loop3A_124 = arith.cmpi slt, %parallel_loop3A_111, %parallel_loop3A_123 : i32
        %parallel_loop3A_125 = arith.extui %parallel_loop3A_124 : i1 to i32
        %parallel_loop3A_126 = arith.subi %parallel_loop3A_122, %parallel_loop3A_125 : i32
        %parallel_loop3A_127 = arith.cmpi ne, %parallel_loop3A_119, %parallel_loop3A_126 : i32
        %parallel_loop3A_128 = arith.remsi %parallel_loop3A_108, %parallel_loop3A_111 : i32
        %parallel_loop3A_129 = arith.constant 0 : i32
        %parallel_loop3A_130 = arith.cmpi ne, %parallel_loop3A_128, %parallel_loop3A_129 : i32
        %parallel_loop3A_131 = arith.andi %parallel_loop3A_127, %parallel_loop3A_130 : i1
        %parallel_loop3A_132 = arith.constant 1 : i32
        %parallel_loop3A_133 = arith.subi %parallel_loop3A_112, %parallel_loop3A_132 : i32
        %parallel_loop3A_134 = arith.select %parallel_loop3A_131, %parallel_loop3A_133, %parallel_loop3A_112 : i32
        %parallel_loop3A_135 = arith.constant 16 : i32
        %parallel_loop3A_136 = arith.muli %parallel_loop3A_134, %parallel_loop3A_135 : i32
        %parallel_loop3A_137 = arith.addi %parallel_loop3A_110, %parallel_loop3A_136 : i32
        %parallel_loop3A_138 = arith.index_cast %parallel_loop3A_137 : i32 to index
        %parallel_loop3A_139 = tpu.vector_load %arg7[%parallel_loop3A_138] {strides = array<i32>} : memref<6400xi32, #tpu.memory_space<vmem>>, vector<16xi32>,
        %parallel_loop3A_140 = arith.constant 16 : i32
        %parallel_loop3A_141 = arith.remsi %parallel_loop3A_108, %parallel_loop3A_140 : i32
        %parallel_loop3A_142 = vector.broadcast %parallel_loop3A_141 : i32 to vector<16xi32>
        %parallel_loop3A_143 = vector.shape_cast %parallel_loop3A_142 : vector<16xi32> to vector<16x1xi32>
        %parallel_loop3A_144 = vector.shape_cast %parallel_loop3A_143 : vector<16x1xi32> to vector<16xi32>
        %parallel_loop3A_145 = tpu.dynamic_gather %parallel_loop3A_139[%parallel_loop3A_144] in [0] : vector<16xi32>, vector<16xi32> -> vector<16xi32>
        %parallel_loop3A_146 = arith.addi %mul3A_84, %parallel_loop3A_108 : i32
        %parallel_loop3A_147 = arith.constant 200 : i32
        %parallel_loop3A_148 = arith.remsi %parallel_loop3A_146, %parallel_loop3A_147 : i32
        %parallel_loop3A_149 = vector.broadcast %parallel_loop3A_108 : i32 to vector<16xi32>
        %parallel_loop3A_150 = arith.constant 0 : i32
        %parallel_loop3A_151 = vector.broadcast %parallel_loop3A_150 : i32 to vector<16xi32>
        %parallel_loop3A_152 = arith.addi %parallel_loop3A_151, %iota3A : vector<16xi32>
        %parallel_loop3A_153 = arith.addi %parallel_loop3A_145, %parallel_loop3A_152 : vector<16xi32>
        %parallel_loop3A_154 = arith.constant 0 : i32
        %parallel_loop3A_155 = arith.constant 0 : i32
        %parallel_loop3A_156 = tpu.memref_slice %arg9[%rem3A_69, %parallel_loop3A_154, %parallel_loop3A_155] : memref<2x128x128xf32, #tpu.memory_space<vmem>> -> memref<1x128x128xf32, #tpu.memory_space<vmem>>
        %parallel_loop3A_157 = tpu.memref_squeeze %parallel_loop3A_156 : memref<1x128x128xf32, #tpu.memory_space<vmem>> -> memref<128x128xf32, #tpu.memory_space<vmem>>
        %parallel_loop3A_158 = tpu.vector_load_idx %parallel_loop3A_157[%parallel_loop3A_149, %parallel_loop3A_153] : memref<128x128xf32, #tpu.memory_space<vmem>>[vector<16xi32>, vector<16xi32>], vector<16xf32>,
        %parallel_loop3A_159 = arith.index_cast %parallel_loop3A_148 : i32 to index
        %parallel_loop3A_160 = arith.constant 0 : index
        %parallel_loop3A_161 = tpu.vector_load %arg8[%parallel_loop3A_159, %parallel_loop3A_160] {strides = array<i32>} : memref<200x64xf32, #tpu.memory_space<vmem>>, vector<16xf32>,
        %parallel_loop3A_162 = arith.addf %parallel_loop3A_158, %parallel_loop3A_161 : vector<16xf32>
        %parallel_loop3A_163 = arith.constant 0 : i32
        %parallel_loop3A_164 = arith.constant 0 : i32
        %parallel_loop3A_165 = tpu.memref_slice %arg10[%rem3A_69, %parallel_loop3A_163, %parallel_loop3A_164] : memref<2x128x64xf32, #tpu.memory_space<vmem>> -> memref<1x128x64xf32, #tpu.memory_space<vmem>>
        %parallel_loop3A_166 = tpu.memref_squeeze %parallel_loop3A_165 : memref<1x128x64xf32, #tpu.memory_space<vmem>> -> memref<128x64xf32, #tpu.memory_space<vmem>>
        %parallel_loop3A_167 = arith.index_cast %parallel_loop3A_108 : i32 to index
        %parallel_loop3A_168 = arith.constant 0 : index
        %parallel_loop3A_169 = tpu.vector_load %parallel_loop3A_166[%parallel_loop3A_167, %parallel_loop3A_168] {strides = array<i32>} : memref<128x64xf32, #tpu.memory_space<vmem>>, vector<16xf32>,
        tpu.vector_store %parallel_loop3A_166[%parallel_loop3A_167, %parallel_loop3A_168], %parallel_loop3A_162 {strides = array<i32>} : memref<128x64xf32, #tpu.memory_space<vmem>>, vector<16xf32>,
        %parallel_loop3A_170 = arith.constant 16 : i32
        %parallel_loop3A_171 = vector.broadcast %parallel_loop3A_170 : i32 to vector<16xi32>
        %parallel_loop3A_172 = arith.addi %parallel_loop3A_171, %iota3A : vector<16xi32>
        %parallel_loop3A_173 = arith.addi %parallel_loop3A_145, %parallel_loop3A_172 : vector<16xi32>
        %parallel_loop3A_174 = arith.constant 0 : i32
        %parallel_loop3A_175 = arith.constant 0 : i32
        %parallel_loop3A_176 = tpu.memref_slice %arg9[%rem3A_69, %parallel_loop3A_174, %parallel_loop3A_175] : memref<2x128x128xf32, #tpu.memory_space<vmem>> -> memref<1x128x128xf32, #tpu.memory_space<vmem>>
        %parallel_loop3A_177 = tpu.memref_squeeze %parallel_loop3A_176 : memref<1x128x128xf32, #tpu.memory_space<vmem>> -> memref<128x128xf32, #tpu.memory_space<vmem>>
        %parallel_loop3A_178 = tpu.vector_load_idx %parallel_loop3A_177[%parallel_loop3A_149, %parallel_loop3A_173] : memref<128x128xf32, #tpu.memory_space<vmem>>[vector<16xi32>, vector<16xi32>], vector<16xf32>,
        %parallel_loop3A_179 = arith.index_cast %parallel_loop3A_148 : i32 to index
        %parallel_loop3A_180 = arith.constant 16 : index
        %parallel_loop3A_181 = tpu.vector_load %arg8[%parallel_loop3A_179, %parallel_loop3A_180] {strides = array<i32>} : memref<200x64xf32, #tpu.memory_space<vmem>>, vector<16xf32>,
        %parallel_loop3A_182 = arith.addf %parallel_loop3A_178, %parallel_loop3A_181 : vector<16xf32>
        %parallel_loop3A_183 = arith.constant 0 : i32
        %parallel_loop3A_184 = arith.constant 0 : i32
        %parallel_loop3A_185 = tpu.memref_slice %arg10[%rem3A_69, %parallel_loop3A_183, %parallel_loop3A_184] : memref<2x128x64xf32, #tpu.memory_space<vmem>> -> memref<1x128x64xf32, #tpu.memory_space<vmem>>
        %parallel_loop3A_186 = tpu.memref_squeeze %parallel_loop3A_185 : memref<1x128x64xf32, #tpu.memory_space<vmem>> -> memref<128x64xf32, #tpu.memory_space<vmem>>
        %parallel_loop3A_187 = arith.index_cast %parallel_loop3A_108 : i32 to index
        %parallel_loop3A_188 = arith.constant 16 : index
        %parallel_loop3A_189 = tpu.vector_load %parallel_loop3A_186[%parallel_loop3A_187, %parallel_loop3A_188] {strides = array<i32>} : memref<128x64xf32, #tpu.memory_space<vmem>>, vector<16xf32>,
        tpu.vector_store %parallel_loop3A_186[%parallel_loop3A_187, %parallel_loop3A_188], %parallel_loop3A_182 {strides = array<i32>} : memref<128x64xf32, #tpu.memory_space<vmem>>, vector<16xf32>,
        %parallel_loop3A_190 = arith.constant 32 : i32
        %parallel_loop3A_191 = vector.broadcast %parallel_loop3A_190 : i32 to vector<16xi32>
        %parallel_loop3A_192 = arith.addi %parallel_loop3A_191, %iota3A : vector<16xi32>
        %parallel_loop3A_193 = arith.addi %parallel_loop3A_145, %parallel_loop3A_192 : vector<16xi32>
        %parallel_loop3A_194 = arith.constant 0 : i32
        %parallel_loop3A_195 = arith.constant 0 : i32
        %parallel_loop3A_196 = tpu.memref_slice %arg9[%rem3A_69, %parallel_loop3A_194, %parallel_loop3A_195] : memref<2x128x128xf32, #tpu.memory_space<vmem>> -> memref<1x128x128xf32, #tpu.memory_space<vmem>>
        %parallel_loop3A_197 = tpu.memref_squeeze %parallel_loop3A_196 : memref<1x128x128xf32, #tpu.memory_space<vmem>> -> memref<128x128xf32, #tpu.memory_space<vmem>>
        %parallel_loop3A_198 = tpu.vector_load_idx %parallel_loop3A_197[%parallel_loop3A_149, %parallel_loop3A_193] : memref<128x128xf32, #tpu.memory_space<vmem>>[vector<16xi32>, vector<16xi32>], vector<16xf32>,
        %parallel_loop3A_199 = arith.index_cast %parallel_loop3A_148 : i32 to index
        %parallel_loop3A_200 = arith.constant 32 : index
        %parallel_loop3A_201 = tpu.vector_load %arg8[%parallel_loop3A_199, %parallel_loop3A_200] {strides = array<i32>} : memref<200x64xf32, #tpu.memory_space<vmem>>, vector<16xf32>,
        %parallel_loop3A_202 = arith.addf %parallel_loop3A_198, %parallel_loop3A_201 : vector<16xf32>
        %parallel_loop3A_203 = arith.constant 0 : i32
        %parallel_loop3A_204 = arith.constant 0 : i32
        %parallel_loop3A_205 = tpu.memref_slice %arg10[%rem3A_69, %parallel_loop3A_203, %parallel_loop3A_204] : memref<2x128x64xf32, #tpu.memory_space<vmem>> -> memref<1x128x64xf32, #tpu.memory_space<vmem>>
        %parallel_loop3A_206 = tpu.memref_squeeze %parallel_loop3A_205 : memref<1x128x64xf32, #tpu.memory_space<vmem>> -> memref<128x64xf32, #tpu.memory_space<vmem>>
        %parallel_loop3A_207 = arith.index_cast %parallel_loop3A_108 : i32 to index
        %parallel_loop3A_208 = arith.constant 32 : index
        %parallel_loop3A_209 = tpu.vector_load %parallel_loop3A_206[%parallel_loop3A_207, %parallel_loop3A_208] {strides = array<i32>} : memref<128x64xf32, #tpu.memory_space<vmem>>, vector<16xf32>,
        tpu.vector_store %parallel_loop3A_206[%parallel_loop3A_207, %parallel_loop3A_208], %parallel_loop3A_202 {strides = array<i32>} : memref<128x64xf32, #tpu.memory_space<vmem>>, vector<16xf32>,
        %parallel_loop3A_210 = arith.constant 48 : i32
        %parallel_loop3A_211 = vector.broadcast %parallel_loop3A_210 : i32 to vector<16xi32>
        %parallel_loop3A_212 = arith.addi %parallel_loop3A_211, %iota3A : vector<16xi32>
        %parallel_loop3A_213 = arith.addi %parallel_loop3A_145, %parallel_loop3A_212 : vector<16xi32>
        %parallel_loop3A_214 = arith.constant 0 : i32
        %parallel_loop3A_215 = arith.constant 0 : i32
        %parallel_loop3A_216 = tpu.memref_slice %arg9[%rem3A_69, %parallel_loop3A_214, %parallel_loop3A_215] : memref<2x128x128xf32, #tpu.memory_space<vmem>> -> memref<1x128x128xf32, #tpu.memory_space<vmem>>
        %parallel_loop3A_217 = tpu.memref_squeeze %parallel_loop3A_216 : memref<1x128x128xf32, #tpu.memory_space<vmem>> -> memref<128x128xf32, #tpu.memory_space<vmem>>
        %parallel_loop3A_218 = tpu.vector_load_idx %parallel_loop3A_217[%parallel_loop3A_149, %parallel_loop3A_213] : memref<128x128xf32, #tpu.memory_space<vmem>>[vector<16xi32>, vector<16xi32>], vector<16xf32>,
        %parallel_loop3A_219 = arith.index_cast %parallel_loop3A_148 : i32 to index
        %parallel_loop3A_220 = arith.constant 48 : index
        %parallel_loop3A_221 = tpu.vector_load %arg8[%parallel_loop3A_219, %parallel_loop3A_220] {strides = array<i32>} : memref<200x64xf32, #tpu.memory_space<vmem>>, vector<16xf32>,
        %parallel_loop3A_222 = arith.addf %parallel_loop3A_218, %parallel_loop3A_221 : vector<16xf32>
        %parallel_loop3A_223 = arith.constant 0 : i32
        %parallel_loop3A_224 = arith.constant 0 : i32
        %parallel_loop3A_225 = tpu.memref_slice %arg10[%rem3A_69, %parallel_loop3A_223, %parallel_loop3A_224] : memref<2x128x64xf32, #tpu.memory_space<vmem>> -> memref<1x128x64xf32, #tpu.memory_space<vmem>>
        %parallel_loop3A_226 = tpu.memref_squeeze %parallel_loop3A_225 : memref<1x128x64xf32, #tpu.memory_space<vmem>> -> memref<128x64xf32, #tpu.memory_space<vmem>>
        %parallel_loop3A_227 = arith.index_cast %parallel_loop3A_108 : i32 to index
        %parallel_loop3A_228 = arith.constant 48 : index
        %parallel_loop3A_229 = tpu.vector_load %parallel_loop3A_226[%parallel_loop3A_227, %parallel_loop3A_228] {strides = array<i32>} : memref<128x64xf32, #tpu.memory_space<vmem>>, vector<16xf32>,
        tpu.vector_store %parallel_loop3A_226[%parallel_loop3A_227, %parallel_loop3A_228], %parallel_loop3A_222 {strides = array<i32>} : memref<128x64xf32, #tpu.memory_space<vmem>>, vector<16xf32>,
      } {sc.loop_unroll_factor = 4 : i64, sc.parallel_access}
      %add3A_87 = arith.addi %mul3A_2, %scan3A_68 : i32
      %mul3A_88 = arith.constant 128 : i32
      %mul3A_89 = arith.muli %add3A_87, %mul3A_88 : i32
      %dma_start3A_90 = arith.constant 0 : i32
      %dma_start3A_91 = arith.constant 0 : i32
      %dma_start3A_92 = tpu.memref_slice %arg10[%rem3A_69, %dma_start3A_90, %dma_start3A_91] : memref<2x128x64xf32, #tpu.memory_space<vmem>> -> memref<1x128x64xf32, #tpu.memory_space<vmem>>
      %dma_start3A_93 = tpu.memref_squeeze %dma_start3A_92 : memref<1x128x64xf32, #tpu.memory_space<vmem>> -> memref<128x64xf32, #tpu.memory_space<vmem>>
      %dma_start3A_94 = arith.constant 0 : i32
      %dma_start3A_95 = tpu.memref_slice %arg5[%mul3A_89, %dma_start3A_94] : memref<204800x64xf32, #tpu.memory_space<hbm>> -> memref<128x64xf32, #tpu.memory_space<hbm>>
      %dma_start3A_96 = arith.constant 0 : i32
      %dma_start3A_97 = tpu.memref_slice %arg5[%mul3A_89, %dma_start3A_96] : memref<204800x64xf32, #tpu.memory_space<hbm>> -> memref<128x64xf32, #tpu.memory_space<hbm>>
      %dma_start3A_98 = arith.constant 0 : i32
      %dma_start3A_99 = arith.constant 0 : i32
      %dma_start3A_100 = tpu.memref_slice %arg10[%rem3A_69, %dma_start3A_98, %dma_start3A_99] : memref<2x128x64xf32, #tpu.memory_space<vmem>> -> memref<1x128x64xf32, #tpu.memory_space<vmem>>
      %dma_start3A_101 = tpu.memref_squeeze %dma_start3A_100 : memref<1x128x64xf32, #tpu.memory_space<vmem>> -> memref<128x64xf32, #tpu.memory_space<vmem>>
      tpu.enqueue_dma source(%dma_start3A_101 : memref<128x64xf32, #tpu.memory_space<vmem>>) target(%dma_start3A_97 : memref<128x64xf32, #tpu.memory_space<hbm>>) target_semaphore(%arg12 : memref<!tpu.dma_semaphore, #tpu.memory_space<semaphore_mem>>)
      %add3A_102 = arith.constant 2 : i32
      %add3A_103 = arith.addi %scan3A_68, %add3A_102 : i32
      %lt3A = arith.constant 50 : i32
      %lt3A_104 = arith.cmpi slt, %add3A_103, %lt3A : i32
      %convert_element_type3A_105 = arith.extui %lt3A_104 : i1 to i32
      %cond3A_106 = arith.constant 0 : i32
      %cond3A_107 = arith.cmpi ne, %convert_element_type3A_105, %cond3A_106 : i32
      scf.if %cond3A_107 {
        %add3A_108 = arith.constant 2 : i32
        %add3A_109 = arith.addi %scan3A_68, %add3A_108 : i32
        %mul3A_110 = arith.constant 128 : i32
        %mul3A_111 = arith.muli %add3A_109, %mul3A_110 : i32
        %dma_start3A_112 = arith.constant 0 : i32
        %dma_start3A_113 = arith.constant 0 : i32
        %dma_start3A_114 = tpu.memref_slice %arg9[%rem3A_69, %dma_start3A_112, %dma_start3A_113] : memref<2x128x128xf32, #tpu.memory_space<vmem>> -> memref<1x128x128xf32, #tpu.memory_space<vmem>>
        %dma_start3A_115 = tpu.memref_squeeze %dma_start3A_114 : memref<1x128x128xf32, #tpu.memory_space<vmem>> -> memref<128x128xf32, #tpu.memory_space<vmem>>
        %dma_start3A_116 = tpu.memref_slice %arg6[%mul3A_111] : memref<6400xi32, #tpu.memory_space<vmem>> -> memref<128xi32, #tpu.memory_space<vmem>>
        %dma_start3A_117 = arith.constant 0 : i32
        %dma_start3A_118 = arith.constant 0 : i32
        %dma_start3A_119 = tpu.memref_slice %arg3[%dma_start3A_117, %dma_start3A_118] : memref<500000x128xf32, #tpu.memory_space<hbm>> -> memref<500000x128xf32, #tpu.memory_space<hbm>>
        tpu.enqueue_indirect_dma source(%dma_start3A_119 : memref<500000x128xf32, #tpu.memory_space<hbm>>) target(%dma_start3A_115 : memref<128x128xf32, #tpu.memory_space<vmem>>) offsets(%dma_start3A_116 : memref<128xi32, #tpu.memory_space<vmem>>) semaphore(%arg11 : memref<!tpu.dma_semaphore, #tpu.memory_space<semaphore_mem>>)
      } else {
      }
    }
    %scan3A_34 = arith.constant 50 : i32
    %add3A_35 = arith.constant 48 : i32
    %add3A_36 = arith.addi %mul3A_2, %add3A_35 : i32
    %mul3A_37 = arith.constant 128 : i32
    %mul3A_38 = arith.muli %add3A_36, %mul3A_37 : i32
    %dma_wait3A = arith.constant 0 : i32
    %dma_wait3A_39 = arith.constant 0 : i32
    %dma_wait3A_40 = arith.constant 0 : i32
    %dma_wait3A_41 = tpu.memref_slice %arg10[%dma_wait3A, %dma_wait3A_39, %dma_wait3A_40] : memref<2x128x64xf32, #tpu.memory_space<vmem>> -> memref<1x128x64xf32, #tpu.memory_space<vmem>>
    %dma_wait3A_42 = tpu.memref_squeeze %dma_wait3A_41 : memref<1x128x64xf32, #tpu.memory_space<vmem>> -> memref<128x64xf32, #tpu.memory_space<vmem>>
    %dma_wait3A_43 = arith.constant 0 : i32
    %dma_wait3A_44 = tpu.memref_slice %arg5[%mul3A_38, %dma_wait3A_43] : memref<204800x64xf32, #tpu.memory_space<hbm>> -> memref<128x64xf32, #tpu.memory_space<hbm>>
    %dma_wait3A_45 = arith.constant 0 : i32
    %dma_wait3A_46 = tpu.memref_slice %arg5[%mul3A_38, %dma_wait3A_45] : memref<204800x64xf32, #tpu.memory_space<hbm>> -> memref<128x64xf32, #tpu.memory_space<hbm>>
    %dma_wait3A_47 = arith.constant 0 : i32
    %dma_wait3A_48 = arith.constant 0 : i32
    %dma_wait3A_49 = tpu.memref_slice %arg10[%dma_wait3A, %dma_wait3A_47, %dma_wait3A_48] : memref<2x128x64xf32, #tpu.memory_space<vmem>> -> memref<1x128x64xf32, #tpu.memory_space<vmem>>
    %dma_wait3A_50 = tpu.memref_squeeze %dma_wait3A_49 : memref<1x128x64xf32, #tpu.memory_space<vmem>> -> memref<128x64xf32, #tpu.memory_space<vmem>>
    tpu.wait_dma2 semaphore(%arg12 : memref<!tpu.dma_semaphore, #tpu.memory_space<semaphore_mem>>) src(%dma_wait3A_50 : memref<128x64xf32, #tpu.memory_space<vmem>>) dst(%dma_wait3A_46 : memref<128x64xf32, #tpu.memory_space<hbm>>)
    %add3A_51 = arith.constant 49 : i32
    %add3A_52 = arith.addi %mul3A_2, %add3A_51 : i32
    %mul3A_53 = arith.constant 128 : i32
    %mul3A_54 = arith.muli %add3A_52, %mul3A_53 : i32
    %dma_wait3A_55 = arith.constant 1 : i32
    %dma_wait3A_56 = arith.constant 0 : i32
    %dma_wait3A_57 = arith.constant 0 : i32
    %dma_wait3A_58 = tpu.memref_slice %arg10[%dma_wait3A_55, %dma_wait3A_56, %dma_wait3A_57] : memref<2x128x64xf32, #tpu.memory_space<vmem>> -> memref<1x128x64xf32, #tpu.memory_space<vmem>>
    %dma_wait3A_59 = tpu.memref_squeeze %dma_wait3A_58 : memref<1x128x64xf32, #tpu.memory_space<vmem>> -> memref<128x64xf32, #tpu.memory_space<vmem>>
    %dma_wait3A_60 = arith.constant 0 : i32
    %dma_wait3A_61 = tpu.memref_slice %arg5[%mul3A_54, %dma_wait3A_60] : memref<204800x64xf32, #tpu.memory_space<hbm>> -> memref<128x64xf32, #tpu.memory_space<hbm>>
    %dma_wait3A_62 = arith.constant 0 : i32
    %dma_wait3A_63 = tpu.memref_slice %arg5[%mul3A_54, %dma_wait3A_62] : memref<204800x64xf32, #tpu.memory_space<hbm>> -> memref<128x64xf32, #tpu.memory_space<hbm>>
    %dma_wait3A_64 = arith.constant 0 : i32
    %dma_wait3A_65 = arith.constant 0 : i32
    %dma_wait3A_66 = tpu.memref_slice %arg10[%dma_wait3A_55, %dma_wait3A_64, %dma_wait3A_65] : memref<2x128x64xf32, #tpu.memory_space<vmem>> -> memref<1x128x64xf32, #tpu.memory_space<vmem>>
    %dma_wait3A_67 = tpu.memref_squeeze %dma_wait3A_66 : memref<1x128x64xf32, #tpu.memory_space<vmem>> -> memref<128x64xf32, #tpu.memory_space<vmem>>
    tpu.wait_dma2 semaphore(%arg12 : memref<!tpu.dma_semaphore, #tpu.memory_space<semaphore_mem>>) src(%dma_wait3A_67 : memref<128x64xf32, #tpu.memory_space<vmem>>) dst(%dma_wait3A_63 : memref<128x64xf32, #tpu.memory_space<hbm>>)
    return
  }
}

</mosaic_0001>

<sc_bundles>
// kernel: _embed.3.cloned.1.call-start
scs
__scs_entry_jumppad:
0x0: {  	(pc) =	sbr.rel $0x88, $3  }
0x1: {  	(tag) =	ssettag $0x0;
	lr =	simm.s32 $0x1  }
0x2: {  	[smem:$0x3F9E] =	sst lr;
	_ =	strace $0xD0000000  }
0x3: {  	_ = 	snop  }
0x4: {  	_ = 	snop  }
0x5: {  	_ = 	snop  }
0x6: {  	_ = 	snop  }
0x7: {  	_ = 	snop  }
__scs_overlays_trampoline_lowered:
0x8: {  	[smem:$0x3FAD] =	sst s0  }
0x9: {  	[smem:$0x3FAE] =	sst s1  }
0xa: {  	[smem:$0x3FAF] =	sst s2  }
0xb: {  	[smem:$0x3FB0] =	sst s3  }
0xc: {  	[smem:$0x3FB1] =	sst s4  }
0xd: {  	[smem:$0x3FB2] =	sst s5  }
0xe: {  	[smem:$0x3FB3] =	sst s6  }
0xf: {  	[smem:$0x3FB4] =	sst s7  }
0x10: {  	[smem:$0x3FB5] =	sst s8  }
0x11: {  	[smem:$0x3FB6] =	sst s9;
	s0 =	simm.s32 @!p0 $0x0  }
0x12: {  	s1 =	sld [smem:$0x3F9C];
	s0 =	simm.s32 @p0 $0x1  }
0x13: {  	[smem:$0x3FB7] =	sst s0;
	s0 =	simm.s32 @!p1 $0x0  }
0x14: {  	s2 =	sld [smem:$0x3F9B];
	s0 =	simm.s32 @p1 $0x1  }
0x15: {  	[smem:$0x3FB8] =	sst s0;
	s0 =	simm.s32 @!p2 $0x0  }
0x16: {  	s3 =	sld [smem:$0x3FDB];
	s0 =	simm.s32 @p2 $0x1  }
0x17: {  	s4 =	simm.s32 $0x1BF5;
	[smem:$0x3FBA] =	sst s0  }
0x18: {  	s0 =	sld [smem:$0x3F9D];
	_ =	swait.ge [sflag:s4], $0x0  }
0x19: {  	s7 =	sld [smem:$0x3F9E]  }
0x1a: {  	s8 =	sadd.s32 $0xFFFFE003, lr  }
0x1b: {  	s9 =	sadd.s32 $0xFFFFFEF7, lr;
	s5 =	simm.s32 $0xFFFFFFFF;
	p2 =	slt.u32 s8, $0xFFFFF086  }
0x1c: {  	p1 =	slt.u32 s9, $0xF7A;
	s5 =	simm.s32 @!p2 $0x0  }
0x1d: {  	s5 =	simm.s32 @p1 $0x1;
	p0 =	seq.s32 s7, s2  }
0x1e: {  	s7 =	smul.u32 @!p0 $0xF7A, s2;
	p2 =	seq.s32 @!p0 s5, $0x0  }
0x1f: {  	s9 =	smul.u32 $0xF7A, s1;
	s8 =	simm.s32 @!p0 $0x1BF5;
	p2 =	por !p2, p0  }
0x20: {  	[sflag:s8] =	ssyncset.s32 @!p0 $0xFFFFF086;
	s6 =	sadd.s32 @!p0 s3, s7;
	s7 =	simm.s32 @!p0 $0x108  }
0x21: {  	s3 =	sadd.s32 s3, s9;
	s6 =	sadd.s32 @!p0 $0x88, s6;
	s7 =	simm.s32 @p2 $0x1082  }
0x22: {  	[simem:s7], [sflag:s8] =	dma.local @!p0 [hbm:s6], $0xF7A  }
0x23: {  	s9 =	sor.u32 $0xD0000000, s2;
	s6 =	simm.s32 $0x108;
	_ =	swait.ge @!p0 [sflag:s8], $0x0  }
0x24: {  	s3 =	sadd.s32 $0x88, s3;
	s6 =	simm.s32 @!p1 $0x1082;
	[sflag:s4] =	ssyncset.s32 $0xFFFFF086  }
0x25: {  	[simem:s6], [sflag:s4] =	dma.local [hbm:s3], $0xF7A  }
0x26: {  	[smem:$0x3F9E] =	sst s1;
	(tag) =	ssettag s2;
	_ =	strace s9  }
0x27: {  	s1 =	sld [smem:$0x3FAE]  }
0x28: {  	s2 =	sld [smem:$0x3FAF]  }
0x29: {  	s4 =	sld [smem:$0x3FB1]  }
0x2a: {  	p0 =	seq.s32 s5, $0x0;
	s5 =	sld [smem:$0x3FB2]  }
0x2b: {  	s6 =	sld [smem:$0x3FB3]  }
0x2c: {  	s7 =	sld [smem:$0x3FB4]  }
0x2d: {  	s3 =	simm.s32 $0x108;
	s8 =	sld [smem:$0x3FB5]  }
0x2e: {  	s3 =	simm.s32 @!p0 $0x1082;
	s9 =	sld [smem:$0x3FB6]  }
0x2f: {  	lr =	sadd.s32 s0, s3;
	s0 =	sld [smem:$0x3FAD]  }
0x30: {  	s3 =	sld [smem:$0x3FB0]  }
0x31: {  	[smem:$0x3FB9] =	sst s10  }
0x32: {  	s10 =	sld [smem:$0x3FB7];
	_ =	sdelay $0x3  }
0x33: {  	p0 =	seq.s32 s10, $0x1;
	s10 =	sld [smem:$0x3FB9];
	_ =	sdelay $0x3  }
0x34: {  	[smem:$0x3FB9] =	sst s10  }
0x35: {  	s10 =	sld [smem:$0x3FB8];
	_ =	sdelay $0x3  }
0x36: {  	p1 =	seq.s32 s10, $0x1;
	s10 =	sld [smem:$0x3FB9];
	_ =	sdelay $0x3  }
0x37: {  	[smem:$0x3FB9] =	sst s10  }
0x38: {  	s10 =	sld [smem:$0x3FBA]  }
0x39: {  	_ = 	snop;
	(pc) =	sbr.ind lr, $3  }
0x3a: {  	_ = 	snop  }
0x3b: {  	_ = 	snop  }
0x3c: {  	p2 =	seq.s32 s10, $0x1;
	s10 =	sld [smem:$0x3FB9]  }
0x3d: {  	_ =	shalt  }
0x3e: {  	_ =	shalt  }
0x3f: {  	_ =	shalt  }
0x40: {  	_ =	shalt  }
0x41: {  	_ =	shalt  }
0x42: {  	_ =	shalt  }
0x43: {  	_ =	shalt  }
0x44: {  	_ =	shalt  }
0x45: {  	_ =	shalt  }
0x46: {  	_ =	shalt  }
0x47: {  	_ =	shalt  }
0x48: {  	_ =	shalt  }
0x49: {  	_ =	shalt  }
0x4a: {  	_ =	shalt  }
0x4b: {  	_ =	shalt  }
0x4c: {  	_ =	shalt  }
0x4d: {  	_ =	shalt  }
0x4e: {  	_ =	shalt  }
0x4f: {  	_ =	shalt  }
0x50: {  	_ =	shalt  }
0x51: {  	_ =	shalt  }
0x52: {  	_ =	shalt  }
0x53: {  	_ =	shalt  }
0x54: {  	_ =	shalt  }
0x55: {  	_ =	shalt  }
0x56: {  	_ =	shalt  }
0x57: {  	_ =	shalt  }
0x58: {  	_ =	shalt  }
0x59: {  	_ =	shalt  }
0x5a: {  	_ =	shalt  }
0x5b: {  	_ =	shalt  }
0x5c: {  	_ =	shalt  }
0x5d: {  	_ =	shalt  }
0x5e: {  	_ =	shalt  }
0x5f: {  	_ =	shalt  }
0x60: {  	_ =	shalt  }
0x61: {  	_ =	shalt  }
0x62: {  	_ =	shalt  }
0x63: {  	_ =	shalt  }
0x64: {  	_ =	shalt  }
0x65: {  	_ =	shalt  }
0x66: {  	_ =	shalt  }
0x67: {  	_ =	shalt  }
0x68: {  	_ =	shalt  }
0x69: {  	_ =	shalt  }
0x6a: {  	_ =	shalt  }
0x6b: {  	_ =	shalt  }
0x6c: {  	_ =	shalt  }
0x6d: {  	_ =	shalt  }
0x6e: {  	_ =	shalt  }
0x6f: {  	_ =	shalt  }
0x70: {  	_ =	shalt  }
0x71: {  	_ =	shalt  }
0x72: {  	_ =	shalt  }
0x73: {  	_ =	shalt  }
0x74: {  	_ =	shalt  }
0x75: {  	_ =	shalt  }
0x76: {  	_ =	shalt  }
0x77: {  	_ =	shalt  }
0x78: {  	_ =	shalt  }
0x79: {  	_ =	shalt  }
0x7a: {  	_ =	shalt  }
0x7b: {  	_ =	shalt  }
0x7c: {  	_ =	shalt  }
0x7d: {  	_ =	shalt  }
0x7e: {  	_ =	shalt  }
0x7f: {  	_ =	shalt  }
0x80: {  	_ =	shalt  }
0x81: {  	_ =	shalt  }
0x82: {  	_ =	shalt  }
0x83: {  	_ =	shalt  }
0x84: {  	_ =	shalt  }
0x85: {  	_ =	shalt  }
0x86: {  	_ =	shalt  }
0x87: {  	_ =	shalt  }
.Lfunc_end0:
.L_simem_size_0:
called_computation_lowered:
.L_overlay_start_0:
0x88: {  	s2 =	sld [smem:$0x3FD9]  }
0x89: {  	s3 =	sld [smem:$0x3FFE];
	_ =	sdelay $0x1  }
0x8a: {  	s1 =	srdreg.scid  }
0x8b: {  	s0 =	sand.u32 $0x1, s1  }
0x8c: {  	s17 =	sshll.u32 s0, $0xA;
	s2 =	sadd.s32 s3, s2  }
0x8d: {  	s2 =	sadd.s32 s2, s17  }
0x8e: {  	[smem:$0x3FC5] =	sst s2  }
0x8f: {  	_ = 	snop  }
0x90: {  	s2 =	sld [smem:$0x3FC9]  }
0x91: {  	s18 =	sld [smem:$0x3FC8]  }
0x92: {  	s4 =	sld [smem:$0x3FD0];
	(tm) =	ssettm $0x1  }
0x93: {  	s5 =	sld [smem:$0x3FFB];
	_ =	sdelay $0x3  }
0x94: {  	_ =	strace s5  }
0x95: {  	s5 =	sld [smem:$0x3FFC];
	_ =	sdelay $0x3  }
0x96: {  	_ =	strace s5  }
0x97: {  	s5 =	sld [smem:$0x3FFD];
	_ =	sdelay $0x3  }
0x98: {  	_ =	strace s5  }
0x99: {  	_ =	strace $0x8FFFFFFF  }
0x9a: {  	s19 =	sld [smem:$0x3FDB];
	_ =	sdelay $0x1  }
0x9b: {  	s6 =	simm.s32 $_scs_section_size  }
0x9c: {  	s7 =	simm.s32 $_size__tile_overlayer_lowered;
	s8 =	simm.s32 $_tile_overlayer_lowered  }
0x9d: {  	s22 =	simm.s32 $0x1BFF;
	s21 =	sshll.u32 s8, $0x1;
	s5 =	sadd.s32 s6, s19  }
0x9e: {  	s9 =	simm.s32 $0x0;
	s20 =	sshll.u32 s7, $0x1;
	s7 =	sadd.s32 s21, s5  }
0x9f: {  	[timem:s9], [sflag:s22] =	dma.local [hbm:s7], s20  }
0xa0: {  	_ =	swait.ge [sflag:s22], s20  }
0xa1: {  	s6 =	ssub.s32 $0x0, s20;
	[sflag:s22] =	ssyncset.done $0x0  }
0xa2: {  	[sflag:s22] =	ssyncadd.s32 s6;
	_ =	sdelay $0x1  }
0xa3: {  	s23 =	simm.s32 $0x1B8B  }
0xa4: {  	_ =	swait.ge [sflag:s23], $0x1  }
0xa5: {  	[sflag:s23] =	ssyncset.done $0x0  }
0xa6: {  	s25 =	simm.s32 $0x1B8E;
	s24 =	sld [smem:$0x3FFE];
	[sflag:s23] =	ssyncadd.s32 $0xFFFFFFFF  }
0xa7: {  	s26 =	simm.s32 $execute0_lowered;
	[smem:$0x3FD2] =	sst s25  }
0xa8: {  	s7 =	sshll.u32 s26, $0x1;
	_ =	strace $0x80000046;
	[dreg:$0x1] =	wrdreg $0xFFFFFFFF  }
0xa9: {  	s28 =	simm.s32 $_size_execute0_lowered;
	s5 =	sadd.s32 s5, s7;
	[dreg:$0x0] =	wrdreg $0x0  }
0xaa: {  	s7 =	sshll.u32 s28, $0x1;
	[dreg:$0x2] =	wrdreg s5  }
0xab: {  	[dreg:$0x3] =	wrdreg s7  }
0xac: {  	[dreg:$0x4] =	wrdreg $0xC0  }
0xad: {  	_ =	task [dreg:s9], $0x5FFFF  }
0xae: {  	[dreg:$0x1] =	wrdreg $0xFFFFFFFF  }
0xaf: {  	[dreg:$0x0] =	wrdreg $0x60  }
0xb0: {  	[dreg:$0x2] =	wrdreg s2  }
0xb1: {  	[dreg:$0x3] =	wrdreg s18  }
0xb2: {  	[dreg:$0x4] =	wrdreg s4  }
0xb3: {  	[dreg:$0x5] =	wrdreg s24  }
0xb4: {  	[dreg:$0x6] =	wrdreg $0x9  }
0xb5: {  	_ =	task.clear_ibuf [dreg:s9], $0x7FFFF;
	_ =	strace $0x90000046  }
0xb6: {  	s29 =	simm.s32 $0x9;
	_ =	strace $0x80000048  }
0xb7: {  	_ =	swait.ge [sflag:s29], $0x1  }
0xb8: {  	[sflag:s29] =	ssyncadd.s32 $0xFFFFFFFF  }
0xb9: {  	_ =	strace $0x90000048  }
0xba: {  	_ =	sfence  }
0xbb: {  	s30 =	sld [smem:$0x0];
	_ =	sdelay $0x2  }
0xbc: {  	s31 =	sshll.u32 s1, $0xD;
	s1 =	sshrl.u32 s1, $0x2  }
0xbd: {  	s3 =	sand.u32 $0x4000, s31;
	s1 =	sadd.s32 s1, s30  }
0xbe: {  	s0 =	sor.u32 s3, s0;
	s1 =	sshll.u32 s1, $0x11  }
0xbf: {  	s0 =	sor.u32 s1, s0  }
0xc0: {  	s0 =	sadd.s32 $0x8F2B, s0  }
0xc1: {  	[sflag:s0] =	ssyncadd.remote.s32 $0x1  }
0xc2: {  	_ =	sfence.sel $0xFFFF  }
0xc3: {  	[dreg:$0x0] =	wrdreg $0xFFFFFFFF;
	(pc) =	sbr.abs _section_cstart, $3  }
0xc4: {  	[dreg:$0x1] =	wrdreg $0xFFFFFFFF  }
0xc5: {  	_ =	task.clear_ibuf [dreg:s9], $0x2FFFF;
	_ =	strace $0x9FFFFFFF  }
0xc6: {  	(tm) =	ssettm $0x7FFFFFFF  }
0xc7: {  	_ =	shalt  }
tec
execute0_lowered:
.L_overlay_start_1:
0x0: {  	(tag) =	ssettag $0x1  }
0x1: {  	s0 =	rddreg [dreg:$0x0]  }
0x2: {  	s1 =	rddreg [dreg:$0x1]  }
0x3: {  	s2 =	rddreg [dreg:$0x3]  }
0x4: {  	s4 =	simm.s32 $0x0;
	s3 =	srdreg.scid;
	s10 =	stileid.u32  }
0x5: {  	s12 =	simm.s32 $0x3;
	s16 =	simm.s32 $0x1;
	s7 =	smul.u32 $0x640000, s10  }
0x6: {  	s3 =	sand.u32 $0x1, s3;
	s5 =	sshll.u32 s10, $0x1;
	s10 =	smul.u32 $0x3200, s10  }
0x7: {  	[smem:$0x7FF] =	sst s4;
	s8 =	sor.u32 s3, s5;
	s9 =	smul.u32 $0x320000, s3  }
0x8: {  	s17 =	simm.s32 $0x2;
	_ =	strace $0x80000047;
	s6 =	smul.u32 $0x32, s8  }
0x9: {  	s5 =	sadd.s32 $0x400, s2;
	s28 =	ssub.s32 $0x2, s3;
	s8 =	smul.u32 $0x320, s8  }
0xa: {  	s3 =	smul.u32 $0x1900, s3;
	s29 =	sshrl.u32 s28, $0x1;
	s7 =	sadd.s32 s9, s7  }
0xb: {  	s2 =	ssub.s32 s28, s29;
	s7 =	sor.u32 $0x6C0, s7;
	s0 =	sadd.s32 s0, s8  }
0xc: {  	s30 =	smax.u32 s2, $0x1;
	s7 =	sshrl.u32 s7, $0x2;
	[dreg:$0x5] =	wrdreg s0  }
0xd: {  	v0 =	vlaneseq.u32;
	s18 =	simm.s32 $0x0;
	[dreg:$0x6] =	wrdreg s30;
	s31 =	sor.u32 $0x3200, s7  }
0xe: {  	s19 =	simm.s32 $0x0;
	v1 =	vor.u32 $0x10, v0;
	v2 =	vor.u32 $0x20, v0;
	v3 =	vor.u32 $0x30, v0;
	s10 =	sadd.s32 s3, s10;
	[dreg:$0x7] =	wrdreg s31  }
.LBB2_1:
0xf: {  	s0 =	rddreg [dreg:$0x2];
	s2 =	simm.s32 $0x3200  }
0x10: {  	[tilespmem:s2], [sflag:$0x3] =	stream.linear.gather [hbm4b:s0+s4], $0x6400, $0x38;
	[tilespmem:$0x19600] =	vst v63  }
0x11: {  	_ =	swait.ge [sflag:s12], $0x6400  }
0x12: {  	[sflag:s12] =	ssyncset.done $0x0  }
0x13: {  	s31 =	rddreg [dreg:$0x5];
	[sflag:s12] =	ssyncadd.s32 $0xFFFF9C00  }
0x14: {  	[tilespmem:s4], [sflag:$0x3] =	stream.linear.gather [hbm4b:s31+s4], $0x1900, $0x38;
	[tilespmem:$0x19600] =	vst v63  }
0x15: {  	_ =	swait.ge [sflag:s12], $0x1900  }
0x16: {  	[sflag:s12] =	ssyncset.done $0x0  }
0x17: {  	s0 =	simm.s32 $0x40;
	[sflag:s12] =	ssyncadd.s32 $0xFFFFE700  }
0x18: {  	v4 =	vld [tilespmem:s0+$0xFFFFFFC0];
	_ =	sdelay $0x4  }
0x19: {  	v5 =	vshll.u32 v4, $0x6  }
0x1a: {  	s2 =	simm.s32 $0x1940;
	v5 =	vand.u32 $0x40, v5  }
0x1b: {  	[tilespmem:s2+$0xFFFFFFC0] =	vst v5  }
0x1c: {  	v5 =	vld [tilespmem:s0+$0xFFFFFFD0];
	_ =	sdelay $0x4  }
0x1d: {  	v4 =	vshra.s32 v4, $0x1;
	v6 =	vshll.u32 v5, $0x6  }
0x1e: {  	[tilespmem:s0+$0xFFFFFFC0] =	vst v4;
	v4 =	vand.u32 $0x40, v6  }
0x1f: {  	[tilespmem:s2+$0xFFFFFFD0] =	vst v4  }
0x20: {  	v4 =	vld [tilespmem:s0+$0xFFFFFFE0];
	_ =	sdelay $0x4  }
0x21: {  	v5 =	vshra.s32 v5, $0x1;
	v6 =	vshll.u32 v4, $0x6  }
0x22: {  	[tilespmem:s0+$0xFFFFFFD0] =	vst v5;
	v5 =	vand.u32 $0x40, v6  }
0x23: {  	[tilespmem:s2+$0xFFFFFFE0] =	vst v5  }
0x24: {  	v5 =	vld [tilespmem:s0+$0xFFFFFFF0];
	_ =	sdelay $0x4  }
0x25: {  	v4 =	vshra.s32 v4, $0x1;
	v6 =	vshll.u32 v5, $0x6  }
0x26: {  	[tilespmem:s0+$0xFFFFFFE0] =	vst v4;
	v4 =	vand.u32 $0x40, v6  }
0x27: {  	[tilespmem:s2+$0xFFFFFFF0] =	vst v4  }
0x28: {  	v4 =	vld [tilespmem:s0+$0x0];
	_ =	sdelay $0x4  }
0x29: {  	v5 =	vshra.s32 v5, $0x1;
	v6 =	vshll.u32 v4, $0x6  }
0x2a: {  	[tilespmem:s0+$0xFFFFFFF0] =	vst v5;
	v5 =	vand.u32 $0x40, v6  }
0x2b: {  	[tilespmem:s2+$0x0] =	vst v5  }
0x2c: {  	v5 =	vld [tilespmem:s0+$0x10];
	_ =	sdelay $0x4  }
0x2d: {  	v4 =	vshra.s32 v4, $0x1;
	v6 =	vshll.u32 v5, $0x6  }
0x2e: {  	[tilespmem:s0+$0x0] =	vst v4;
	v4 =	vand.u32 $0x40, v6  }
0x2f: {  	[tilespmem:s2+$0x10] =	vst v4  }
0x30: {  	v4 =	vld [tilespmem:s0+$0x20];
	_ =	sdelay $0x3  }
0x31: {  	v5 =	vshra.s32 v5, $0x1  }
0x32: {  	[tilespmem:s0+$0x10] =	vst v5;
	v5 =	vshll.u32 v4, $0x6  }
0x33: {  	v5 =	vand.u32 $0x40, v5  }
0x34: {  	v4 =	vshra.s32 v4, $0x1;
	[tilespmem:s2+$0x20] =	vst v5  }
0x35: {  	[tilespmem:s0+$0x20] =	vst v4;
	v4 =	vld [tilespmem:s0+$0x30];
	_ =	sdelay $0x4  }
0x36: {  	v5 =	vshll.u32 v4, $0x6  }
0x37: {  	v5 =	vand.u32 $0x40, v5  }
0x38: {  	s3 =	simm.s32 $0x0;
	s7 =	simm.s32 $0xC0;
	v4 =	vshra.s32 v4, $0x1;
	[tilespmem:s2+$0x30] =	vst v5  }
.LBB2_2:
0x39: {  	v5 =	vld [tilespmem:s7+$0xFFFFFFC0];
	s3 =	sadd.s32 $0x8, s3;
	[tilespmem:s0+$0x30] =	vst v4;
	s0 =	smov.u32 s7  }
0x3a: {  	p0 =	slt.u32 s3, $0x188;
	_ =	sdelay $0x3  }
0x3b: {  	v4 =	vshll.u32 v5, $0x6;
	v5 =	vshra.s32 v5, $0x1  }
0x3c: {  	s2 =	sadd.s32 $0x80, s2;
	v4 =	vand.u32 $0x40, v4  }
0x3d: {  	[tilespmem:s2+$0xFFFFFFC0] =	vst v4  }
0x3e: {  	v4 =	vld [tilespmem:s7+$0xFFFFFFD0];
	_ =	sdelay $0x4  }
0x3f: {  	v6 =	vshll.u32 v4, $0x6  }
0x40: {  	[tilespmem:s7+$0xFFFFFFC0] =	vst v5;
	v5 =	vand.u32 $0x40, v6  }
0x41: {  	[tilespmem:s2+$0xFFFFFFD0] =	vst v5  }
0x42: {  	v5 =	vld [tilespmem:s7+$0xFFFFFFE0];
	_ =	sdelay $0x4  }
0x43: {  	v4 =	vshra.s32 v4, $0x1;
	v6 =	vshll.u32 v5, $0x6;
	v5 =	vshra.s32 v5, $0x1  }
0x44: {  	[tilespmem:s7+$0xFFFFFFD0] =	vst v4;
	v4 =	vand.u32 $0x40, v6  }
0x45: {  	[tilespmem:s2+$0xFFFFFFE0] =	vst v4  }
0x46: {  	v4 =	vld [tilespmem:s7+$0xFFFFFFF0];
	_ =	sdelay $0x4  }
0x47: {  	v6 =	vshll.u32 v4, $0x6  }
0x48: {  	[tilespmem:s7+$0xFFFFFFE0] =	vst v5;
	v5 =	vand.u32 $0x40, v6  }
0x49: {  	[tilespmem:s2+$0xFFFFFFF0] =	vst v5  }
0x4a: {  	v5 =	vld [tilespmem:s7+$0x0];
	_ =	sdelay $0x4  }
0x4b: {  	v4 =	vshra.s32 v4, $0x1;
	v6 =	vshll.u32 v5, $0x6;
	v5 =	vshra.s32 v5, $0x1  }
0x4c: {  	[tilespmem:s7+$0xFFFFFFF0] =	vst v4;
	v4 =	vand.u32 $0x40, v6  }
0x4d: {  	[tilespmem:s2+$0x0] =	vst v4  }
0x4e: {  	v4 =	vld [tilespmem:s7+$0x10];
	_ =	sdelay $0x4  }
0x4f: {  	v6 =	vshll.u32 v4, $0x6;
	v4 =	vshra.s32 v4, $0x1  }
0x50: {  	[tilespmem:s7+$0x0] =	vst v5;
	v5 =	vand.u32 $0x40, v6  }
0x51: {  	[tilespmem:s2+$0x10] =	vst v5  }
0x52: {  	[tilespmem:s7+$0x10] =	vst v4;
	v4 =	vld [tilespmem:s7+$0x20];
	_ =	sdelay $0x4  }
0x53: {  	v5 =	vshll.u32 v4, $0x6;
	v4 =	vshra.s32 v4, $0x1  }
0x54: {  	v5 =	vand.u32 $0x40, v5  }
0x55: {  	[tilespmem:s2+$0x20] =	vst v5  }
0x56: {  	[tilespmem:s7+$0x20] =	vst v4;
	v4 =	vld [tilespmem:s7+$0x30];
	_ =	sdelay $0x2  }
.Ltmp0:
0x57: {  	(pc) =	sbr.rel @p0 .LBB2_2-.Ltmp0, $4  }
0x58: {  	_ = 	snop  }
0x59: {  	v5 =	vshll.u32 v4, $0x6;
	v4 =	vshra.s32 v4, $0x1  }
0x5a: {  	v5 =	vand.u32 $0x40, v5  }
0x5b: {  	s7 =	sadd.s32 $0x80, s7;
	[tilespmem:s2+$0x30] =	vst v5  }
0x5c: {  	s30 =	simm.s32 $0x80  }
0x5d: {  	[tilespmem:s0+$0x30] =	vst v4;
	s2 =	simm.s32 $0x9600;
	s31 =	simm.s32 $0xD600;
	p0 =	por $0x0, $0x0  }
0x5e: {  	[tilespmem:s2], [sflag:$0x1] =	stream.indirect.gather [hbm4b:s1+s30], $0x80, s19, s30, $0xb8;
	[tilespmem:$0x19600] =	vst v63  }
0x5f: {  	s20 =	smov.u32 s10;
	s21 =	rddreg [dreg:$0x7];
	s22 =	simm.s32 $0x0  }
0x60: {  	[tilespmem:s31], [sflag:$0x1] =	stream.indirect.gather [hbm4b:s1+s30], $0x80, s30, s30, $0xb8;
	[tilespmem:$0x19600] =	vst v63  }
.LBB2_4:
0x61: {  	s23 =	sshll.u32 s22, $0x9  }
0x62: {  	s0 =	sshrl.u32 s23, $0x2  }
0x63: {  	_ =	swait.ge [sflag:s16], $0x4000;
	s0 =	sadd.s32 $0x1900, s0  }
0x64: {  	p1 =	slt.u32 s22, $0x2;
	[sflag:s16] =	ssyncset.done $0x0;
	v4 =	vmov s0  }
0x65: {  	[sflag:s16] =	ssyncadd.s32 $0xFFFFC000;
	s0 =	simm.s32 @!p1 $0x2  }
0x66: {  	_ =	swait.ge @!p1 [sflag:s0], $0x4000  }
0x67: {  	[sflag:s0] =	ssyncset.done @!p1 $0x0  }
0x68: {  	s8 =	sand.u32 $0x70, s19;
	[sflag:s0] =	ssyncadd.s32 @!p1 $0xFFFFC000  }
0x69: {  	v5 =	vld.idx.msk [tilespmem:v4+s8+$0x0 ss:$0x1], $0xffff;
	_ =	sdelay $0x2  }
0x6a: {  	s9 =	sand.u32 $0xC, s19;
	s2 =	simm.s32 $0x2  }
0x6b: {  	s3 =	simm.s32 $0x3;
	s13 =	simm.s32 $0x1;
	v6 =	vmov s9;
	s11 =	sand.u32 $0xE, s2  }
0x6c: {  	v7 =	vmov s3;
	v8 =	vmov s11;
	s0 =	sand.u32 $0xD, s13;
	v6 =	vperm.xlane v5, v6  }
0x6d: {  	v14 =	vmov s0;
	v7 =	vperm.xlane v5, v7;
	v8 =	vperm.xlane v5, v8  }
0x6e: {  	s14 =	smulhi.u32 $0x51EB851F, s20;
	v5 =	vperm.xlane v5, v14;
	v9 =	vadd.s32 v0, v6  }
0x6f: {  	v10 =	vadd.s32 v0, v7;
	v11 =	vadd.s32 v0, v8;
	v14 =	vadd.s32 v1, v6  }
0x70: {  	s2 =	simm.s32 $0x180;
	s0 =	sshrl.u32 s14, $0x6;
	v15 =	vadd.s32 v1, v5;
	v16 =	vadd.s32 v1, v8;
	v13 =	vand.u32 $0xFFFFFF80, v10  }
0x71: {  	s0 =	smul.u32 $0xFFFE7000, s0;
	v19 =	vadd.s32 v1, v7;
	v10 =	vand.u32 $0x7F, v10;
	v13 =	vadd.s32 s2, v13  }
0x72: {  	s15 =	simm.s32 $0x0;
	v12 =	vand.u32 $0xFFFFFF80, v9;
	v9 =	vand.u32 $0x7F, v9;
	v10 =	vor.u32 v10, v13  }
0x73: {  	s7 =	simm.s32 $0x100;
	s0 =	sshra.s32 s0, $0x2;
	v12 =	vadd.s32 s15, v12;
	v13 =	vand.u32 $0xFFFFFF80, v11;
	v11 =	vand.u32 $0x7F, v11  }
0x74: {  	s8 =	sshll.u32 s22, $0xE;
	s0 =	sadd.s32 s0, s21;
	v9 =	vor.u32 v9, v12;
	v12 =	vadd.s32 s7, v13;
	v13 =	vadd.s32 v0, v5  }
0x75: {  	s26 =	simm.s32 $0x80;
	s31 =	sand.u32 $0x4000, s8;
	v18 =	vld [tilespmem:s0+$0xFFFFFFD0];
	v17 =	vand.u32 $0xFFFFFF80, v15;
	v11 =	vor.u32 v11, v12;
	v12 =	vand.u32 $0xFFFFFF80, v13  }
0x76: {  	s24 =	sor.u32 $0x9600, s31;
	v22 =	vld [tilespmem:s0+$0xFFFFFE50];
	v20 =	vand.u32 $0xFFFFFF80, v16;
	v13 =	vand.u32 $0x7F, v13;
	v12 =	vadd.s32 s26, v12  }
0x77: {  	v15 =	vand.u32 $0x7F, v15;
	v17 =	vadd.s32 s26, v17;
	v12 =	vor.u32 v13, v12;
	v10 =	vld.idx.msk [tilespmem:v10+s24+$0x0], $0xffff  }
0x78: {  	v21 =	vand.u32 $0xFFFFFF80, v19;
	v19 =	vand.u32 $0x7F, v19;
	v15 =	vor.u32 v15, v17;
	v17 =	vld [tilespmem:s0+$0xFFFFFED0]  }
0x79: {  	v21 =	vadd.s32 s2, v21;
	v20 =	vadd.s32 s7, v20;
	v13 =	vand.u32 $0xFFFFFF80, v14;
	v9 =	vld.idx.msk [tilespmem:v9+s24+$0x0], $0xffff  }
0x7a: {  	s11 =	simm.s32 $0x1;
	v19 =	vor.u32 v19, v21;
	v21 =	vld [tilespmem:s0+$0xFFFFFF50];
	v14 =	vand.u32 $0x7F, v14;
	v13 =	vadd.s32 s15, v13  }
0x7b: {  	s11 =	simm.s32 @!p0 $0x0;
	v13 =	vor.u32 v14, v13;
	v14 =	vand.u32 $0x7F, v16;
	v16 =	vadd.s32 v2, v6;
	v11 =	vld.idx.msk [tilespmem:v11+s24+$0x0], $0xffff  }
0x7c: {  	s11 =	sshll.u32 s11, $0xE;
	v6 =	vadd.s32 v3, v6;
	v14 =	vor.u32 v14, v20;
	v12 =	vld.idx.msk [tilespmem:v12+s24+$0x0], $0xffff;
	v10 =	vadd.f32 v18, v10  }
0x7d: {  	s25 =	sor.u32 $0x11700, s11;
	v20 =	vadd.s32 v2, v8;
	v23 =	vand.u32 $0xFFFFFF80, v16;
	v16 =	vand.u32 $0x7F, v16  }
0x7e: {  	v25 =	vand.u32 $0xFFFFFF80, v20;
	v18 =	vadd.s32 v2, v5;
	v9 =	vadd.f32 v22, v9;
	[tilespmem:s25+$0x80] =	vst v10  }
0x7f: {  	v22 =	vadd.s32 s7, v25;
	v25 =	vadd.s32 v2, v7;
	v24 =	vand.u32 $0xFFFFFF80, v18;
	v19 =	vld.idx.msk [tilespmem:v19+s24+$0x0], $0xffff  }
0x80: {  	v10 =	vadd.s32 s15, v23;
	v23 =	vadd.s32 s26, v24;
	[tilespmem:s25+$0xFFFFFF00] =	vst v9;
	v11 =	vadd.f32 v21, v11;
	v24 =	vld [tilespmem:s0+$0xFFFFFFE0]  }
0x81: {  	v13 =	vld.idx.msk [tilespmem:v13+s24+$0x0], $0xffff;
	v10 =	vor.u32 v16, v10;
	v9 =	vadd.f32 v17, v12;
	v12 =	vand.u32 $0xFFFFFF80, v25  }
0x82: {  	v16 =	vand.u32 $0x7F, v20;
	v20 =	vld [tilespmem:s0+$0xFFFFFE60];
	v17 =	vand.u32 $0x7F, v25;
	[tilespmem:s25+$0x0] =	vst v11;
	v12 =	vadd.s32 s2, v12  }
0x83: {  	s9 =	simm.s32 $0x4;
	v8 =	vadd.s32 v3, v8;
	v5 =	vadd.s32 v3, v5;
	[tilespmem:s25+$0xFFFFFF80] =	vst v9;
	v9 =	vor.u32 v17, v12  }
0x84: {  	s11 =	sand.u32 $0x70, s9;
	v7 =	vadd.s32 v3, v7;
	v18 =	vand.u32 $0x7F, v18;
	v16 =	vor.u32 v16, v22;
	v11 =	vld.idx.msk [tilespmem:v14+s24+$0x0], $0xffff  }
0x85: {  	s13 =	sand.u32 $0xC, s9;
	v22 =	vand.u32 $0xFFFFFF80, v8;
	v17 =	vor.u32 v18, v23;
	v23 =	vld.idx.msk [tilespmem:v4+s11+$0x0 ss:$0x1], $0xffff;
	v14 =	vadd.f32 v24, v19  }
0x86: {  	v12 =	vmov s13;
	v18 =	vand.u32 $0xFFFFFF80, v6;
	v6 =	vand.u32 $0x7F, v6;
	v15 =	vld.idx.msk [tilespmem:v15+s24+$0x0], $0xffff  }
0x87: {  	v21 =	vld [tilespmem:s0+$0xFFFFFEE0];
	v18 =	vadd.s32 s15, v18;
	v19 =	vand.u32 $0xFFFFFF80, v5;
	v13 =	vadd.f32 v20, v13;
	[tilespmem:s25+$0x90] =	vst v14  }
0x88: {  	v5 =	vand.u32 $0x7F, v5;
	v6 =	vor.u32 v6, v18;
	v19 =	vadd.s32 s26, v19;
	v20 =	vld.idx.msk [tilespmem:v9+s24+$0x0], $0xffff  }
0x89: {  	s13 =	simm.s32 $0x6;
	v14 =	vadd.s32 s7, v22;
	v18 =	vld [tilespmem:s0+$0xFFFFFFF0];
	v9 =	vor.u32 v5, v19;
	v5 =	vand.u32 $0x7F, v8  }
0x8a: {  	s3 =	sand.u32 $0xE, s13;
	v22 =	vld [tilespmem:s0+$0xFFFFFF60];
	v19 =	vand.u32 $0xFFFFFF80, v7;
	v12 =	vperm.xlane v23, v12;
	v8 =	vor.u32 v5, v14  }
0x8b: {  	s14 =	simm.s32 $0x7;
	v5 =	vand.u32 $0x7F, v7;
	v7 =	vadd.s32 s2, v19;
	v14 =	vmov s3  }
0x8c: {  	v15 =	vadd.f32 v21, v15;
	v7 =	vor.u32 v5, v7;
	v5 =	vmov s14  }
0x8d: {  	v14 =	vperm.xlane v23, v14;
	v19 =	vadd.s32 v0, v12;
	v5 =	vperm.xlane v23, v5  }
0x8e: {  	[tilespmem:s25+$0xFFFFFF10] =	vst v13;
	v21 =	vand.u32 $0xFFFFFF80, v19;
	v19 =	vand.u32 $0x7F, v19;
	v18 =	vadd.f32 v18, v20  }
0x8f: {  	s15 =	simm.s32 $0x5;
	s7 =	simm.s32 $0x200;
	[tilespmem:s25+$0xFFFFFF90] =	vst v15;
	v15 =	vadd.s32 v1, v12;
	v11 =	vadd.f32 v22, v11;
	v26 =	vadd.s32 v1, v14  }
0x90: {  	s2 =	sand.u32 $0xD, s15;
	v27 =	vand.u32 $0xFFFFFF80, v15;
	[tilespmem:s25+$0xA0] =	vst v18;
	v18 =	vadd.s32 s7, v21;
	v21 =	vadd.s32 v0, v5  }
0x91: {  	v10 =	vld.idx.msk [tilespmem:v10+s24+$0x0], $0xffff;
	s3 =	simm.s32 $0x380;
	v18 =	vor.u32 v19, v18;
	v19 =	vmov s2;
	v22 =	vand.u32 $0xFFFFFF80, v21;
	s2 =	sadd.s32 $0x4, s20  }
0x92: {  	v20 =	vadd.s32 v0, v14;
	v7 =	vld.idx.msk [tilespmem:v7+s24+$0x0], $0xffff;
	v21 =	vand.u32 $0x7F, v21;
	s26 =	smulhi.u32 $0x51EB851F, s2;
	v22 =	vadd.s32 s3, v22  }
0x93: {  	s8 =	simm.s32 $0x300;
	v13 =	vld [tilespmem:s0+$0x0];
	v19 =	vperm.xlane v23, v19;
	v23 =	vand.u32 $0xFFFFFF80, v20;
	v21 =	vor.u32 v21, v22  }
0x94: {  	v17 =	vld.idx.msk [tilespmem:v17+s24+$0x0], $0xffff;
	v15 =	vand.u32 $0x7F, v15;
	[tilespmem:s25+$0x10] =	vst v11;
	v20 =	vand.u32 $0x7F, v20;
	v23 =	vadd.s32 s8, v23;
	s11 =	sshrl.u32 s26, $0x6  }
0x95: {  	v31 =	vadd.s32 v2, v14;
	v28 =	vadd.s32 v1, v5;
	v25 =	vld.idx.msk [tilespmem:v16+s24+$0x0], $0xffff;
	v20 =	vor.u32 v20, v23;
	s11 =	smul.u32 $0xFFFE7000, s11  }
0x96: {  	v29 =	vand.u32 $0xFFFFFF80, v28;
	v28 =	vand.u32 $0x7F, v28;
	v35 =	vld [tilespmem:s0+$0xFFFFFF70];
	v24 =	vadd.s32 v0, v19  }
0x97: {  	s13 =	simm.s32 $0x280;
	v29 =	vadd.s32 s3, v29;
	v11 =	vadd.s32 v1, v19;
	v23 =	vand.u32 $0xFFFFFF80, v24;
	v18 =	vld.idx.msk [tilespmem:v18+s24+$0x0], $0xffff;
	s14 =	sshra.s32 s11, $0x2;
	s11 =	sadd.s32 $0x200, s21  }
0x98: {  	v24 =	vand.u32 $0x7F, v24;
	v23 =	vadd.s32 s13, v23;
	v16 =	vadd.f32 v13, v7;
	s28 =	sadd.s32 s14, s11;
	v21 =	vld.idx.msk [tilespmem:v21+s24+$0x0], $0xffff  }
0x99: {  	v13 =	vand.u32 $0xFFFFFF80, v11;
	v7 =	vor.u32 v24, v23;
	v24 =	vadd.s32 s7, v27;
	v27 =	vld [tilespmem:s28+$0xFFFFFFD0]  }
0x9a: {  	v11 =	vand.u32 $0x7F, v11;
	v23 =	vand.u32 $0xFFFFFF80, v26;
	v13 =	vadd.s32 s13, v13;
	v20 =	vld.idx.msk [tilespmem:v20+s24+$0x0], $0xffff  }
0x9b: {  	v26 =	vand.u32 $0x7F, v26;
	v23 =	vadd.s32 s8, v23;
	v15 =	vor.u32 v15, v24;
	v24 =	vld [tilespmem:s28+$0xFFFFFE50]  }
0x9c: {  	v28 =	vor.u32 v28, v29;
	v11 =	vor.u32 v11, v13;
	v13 =	vor.u32 v26, v23;
	v26 =	vld [tilespmem:s28+$0xFFFFFED0]  }
0x9d: {  	v30 =	vadd.s32 v2, v12;
	v12 =	vadd.s32 v3, v12;
	v34 =	vand.u32 $0xFFFFFF80, v31;
	v32 =	vld [tilespmem:s28+$0xFFFFFF50]  }
0x9e: {  	v14 =	vadd.s32 v3, v14;
	v29 =	vadd.s32 v2, v19;
	v7 =	vld.idx.msk [tilespmem:v7+s24+$0x0], $0xffff;
	v21 =	vadd.f32 v27, v21  }
0x9f: {  	v22 =	vld [tilespmem:s0+$0xFFFFFE70];
	s26 =	sadd.s32 $0x200, s25;
	v19 =	vadd.s32 v3, v19;
	v33 =	vand.u32 $0xFFFFFF80, v29;
	v23 =	vand.u32 $0xFFFFFF80, v30  }
0xa0: {  	v23 =	vadd.s32 s7, v23;
	v27 =	vld [tilespmem:s0+$0xFFFFFEF0];
	v18 =	vadd.f32 v24, v18;
	v24 =	vand.u32 $0x7F, v30;
	[tilespmem:s26+$0x80] =	vst v21  }
0xa1: {  	v29 =	vand.u32 $0x7F, v29;
	v33 =	vadd.s32 s13, v33;
	v23 =	vor.u32 v24, v23;
	v24 =	vld.idx.msk [tilespmem:v28+s24+$0x0], $0xffff  }
0xa2: {  	v20 =	vadd.f32 v32, v20;
	v21 =	vadd.s32 s8, v34;
	[tilespmem:s26+$0xFFFFFF00] =	vst v18;
	v28 =	vor.u32 v29, v33;
	v18 =	vld [tilespmem:s28+$0xFFFFFFE0]  }
0xa3: {  	v7 =	vadd.f32 v26, v7;
	v26 =	vadd.s32 v2, v5;
	v29 =	vand.u32 $0x7F, v31;
	v15 =	vld.idx.msk [tilespmem:v15+s24+$0x0], $0xffff  }
0xa4: {  	v25 =	vadd.f32 v35, v25;
	[tilespmem:s26+$0x0] =	vst v20;
	v30 =	vand.u32 $0xFFFFFF80, v26;
	v21 =	vor.u32 v29, v21;
	v29 =	vld [tilespmem:s28+$0xFFFFFE60]  }
0xa5: {  	s9 =	simm.s32 $0x8;
	v22 =	vadd.f32 v22, v10;
	v13 =	vld.idx.msk [tilespmem:v13+s24+$0x0], $0xffff;
	[tilespmem:s26+$0xFFFFFF80] =	vst v7;
	v7 =	vand.u32 $0x7F, v26;
	v26 =	vadd.s32 s3, v30  }
0xa6: {  	s15 =	sand.u32 $0xC, s9;
	v20 =	vand.u32 $0xFFFFFF80, v12;
	v11 =	vld.idx.msk [tilespmem:v11+s24+$0x0], $0xffff;
	v7 =	vor.u32 v7, v26;
	v26 =	vand.u32 $0xFFFFFF80, v19  }
0xa7: {  	v20 =	vadd.s32 s7, v20;
	v30 =	vmov s15;
	v31 =	vld [tilespmem:s28+$0xFFFFFEE0];
	v26 =	vadd.s32 s13, v26  }
0xa8: {  	s14 =	sand.u32 $0x70, s9;
	v10 =	vadd.f32 v18, v24;
	v18 =	vadd.f32 v27, v17;
	v17 =	vand.u32 $0xFFFFFF80, v14;
	v24 =	vld [tilespmem:s28+$0xFFFFFF60]  }
0xa9: {  	[tilespmem:s25+$0x20] =	vst v25;
	v27 =	vld.idx.msk [tilespmem:v4+s14+$0x0 ss:$0x1], $0xffff;
	v14 =	vand.u32 $0x7F, v14;
	v17 =	vadd.s32 s8, v17;
	v15 =	vadd.f32 v29, v15  }
0xaa: {  	v8 =	vld.idx.msk [tilespmem:v8+s24+$0x0], $0xffff;
	v29 =	vadd.s32 v3, v5;
	[tilespmem:s26+$0x90] =	vst v10;
	v10 =	vand.u32 $0x7F, v12;
	v12 =	vand.u32 $0x7F, v19  }
0xab: {  	s9 =	simm.s32 $0xA;
	[tilespmem:s25+$0xFFFFFF20] =	vst v22;
	v5 =	vor.u32 v14, v17;
	v14 =	vand.u32 $0x7F, v29;
	v19 =	vld.idx.msk [tilespmem:v7+s24+$0x0], $0xffff;
	v10 =	vor.u32 v10, v20  }
0xac: {  	s7 =	sand.u32 $0xE, s9;
	[tilespmem:s25+$0xFFFFFFA0] =	vst v18;
	v20 =	vld [tilespmem:s28+$0xFFFFFFF0];
	v7 =	vor.u32 v12, v26;
	v12 =	vand.u32 $0xFFFFFF80, v29;
	v11 =	vadd.f32 v31, v11  }
0xad: {  	v6 =	vld.idx.msk [tilespmem:v6+s24+$0x0], $0xffff;
	s14 =	simm.s32 $0xB;
	[tilespmem:s26+$0xFFFFFF10] =	vst v15;
	v15 =	vmov s7;
	v12 =	vadd.s32 s3, v12;
	s3 =	simm.s32 $0xC;
	v13 =	vadd.f32 v24, v13  }
0xae: {  	v17 =	vld.idx.msk [tilespmem:v23+s24+$0x0], $0xffff;
	[tilespmem:s26+$0xFFFFFF90] =	vst v11;
	s13 =	sand.u32 $0xC, s3;
	v22 =	vperm.xlane v27, v30;
	v23 =	vperm.xlane v27, v15;
	v11 =	vmov s14  }
0xaf: {  	v9 =	vld.idx.msk [tilespmem:v9+s24+$0x0], $0xffff;
	v14 =	vor.u32 v14, v12;
	v12 =	vmov s13;
	v15 =	vperm.xlane v27, v11  }
0xb0: {  	s2 =	sadd.s32 $0x4, s2;
	[tilespmem:s26+$0x10] =	vst v13;
	v13 =	vadd.s32 v0, v22;
	v44 =	vadd.s32 v1, v23;
	v50 =	vadd.s32 v2, v22  }
0xb1: {  	s9 =	smulhi.u32 $0x51EB851F, s2;
	v26 =	vld [tilespmem:s28+$0xFFFFFE70];
	v40 =	vadd.s32 v2, v23;
	v19 =	vadd.f32 v20, v19;
	v20 =	vadd.s32 v0, v23  }
0xb2: {  	s15 =	simm.s32 $0x9;
	s7 =	simm.s32 $0x400;
	v30 =	vld.idx.msk [tilespmem:v21+s24+$0x0], $0xffff;
	v11 =	vand.u32 $0xFFFFFF80, v13;
	v13 =	vand.u32 $0x7F, v13;
	v21 =	vand.u32 $0xFFFFFF80, v20  }
0xb3: {  	s8 =	sand.u32 $0xD, s15;
	v24 =	vld.idx.msk [tilespmem:v28+s24+$0x0], $0xffff;
	s13 =	sshrl.u32 s9, $0x6;
	v11 =	vadd.s32 s7, v11;
	[tilespmem:s26+$0xA0] =	vst v19;
	v19 =	vand.u32 $0x7F, v20;
	v20 =	vadd.s32 v0, v15  }
0xb4: {  	s14 =	simm.s32 $0x580;
	s15 =	smul.u32 $0xFFFE7000, s13;
	v13 =	vor.u32 v13, v11;
	v11 =	vmov s8;
	v14 =	vld.idx.msk [tilespmem:v14+s24+$0x0], $0xffff;
	v28 =	vand.u32 $0xFFFFFF80, v20  }
0xb5: {  	v29 =	vld [tilespmem:s28+$0x0];
	v27 =	vperm.xlane v27, v11;
	v11 =	vand.u32 $0x7F, v20;
	v20 =	vadd.s32 s14, v28  }
0xb6: {  	s11 =	sadd.s32 $0x200, s11;
	v18 =	vld [tilespmem:s28+$0xFFFFFEF0];
	v58 =	vadd.s32 v3, v22;
	v36 =	vadd.s32 v1, v15;
	s15 =	sshra.s32 s15, $0x2;
	v20 =	vor.u32 v11, v20  }
0xb7: {  	v25 =	vld [tilespmem:s28+$0xFFFFFF70];
	v54 =	vand.u32 $0x7F, v40;
	v57 =	vadd.s32 v2, v15;
	v61 =	vand.u32 $0xFFFFFF80, v58;
	s8 =	simm.s32 $0x500;
	s29 =	sadd.s32 s15, s11  }
0xb8: {  	v49 =	vand.u32 $0xFFFFFF80, v36;
	v21 =	vadd.s32 s8, v21;
	v48 =	vld [tilespmem:s29+$0xFFFFFFD0];
	v11 =	vadd.s32 v0, v27  }
0xb9: {  	s9 =	simm.s32 $0x480;
	v37 =	vld [tilespmem:s29+$0xFFFFFE50];
	v19 =	vor.u32 v19, v21;
	v31 =	vadd.s32 v1, v27;
	v21 =	vand.u32 $0xFFFFFF80, v11  }
0xba: {  	v43 =	vand.u32 $0x7F, v11;
	v21 =	vadd.s32 s9, v21;
	v46 =	vadd.f32 v29, v14;
	v14 =	vld.idx.msk [tilespmem:v13+s24+$0x0], $0xffff  }
0xbb: {  	v62 =	vadd.f32 v26, v17;
	v13 =	vor.u32 v43, v21;
	v21 =	vand.u32 $0xFFFFFF80, v31;
	v20 =	vld.idx.msk [tilespmem:v20+s24+$0x0], $0xffff  }
0xbc: {  	v33 =	vadd.s32 s14, v49;
	v51 =	vld [tilespmem:s29+$0xFFFFFED0];
	v31 =	vand.u32 $0x7F, v31;
	v21 =	vadd.s32 s9, v21  }
0xbd: {  	v42 =	vld [tilespmem:s29+$0xFFFFFF50];
	v28 =	vadd.s32 v1, v22;
	v31 =	vor.u32 v31, v21;
	v21 =	vand.u32 $0x7F, v36  }
0xbe: {  	v22 =	vand.u32 $0xFFFFFF80, v57;
	v45 =	vand.u32 $0xFFFFFF80, v28;
	v11 =	vld [tilespmem:s0+$0xFFFFFE80];
	v21 =	vor.u32 v21, v33  }
0xbf: {  	v28 =	vand.u32 $0x7F, v28;
	v39 =	vadd.s32 v2, v27;
	v47 =	vadd.s32 s7, v45;
	v19 =	vld.idx.msk [tilespmem:v19+s24+$0x0], $0xffff  }
0xc0: {  	v32 =	vor.u32 v28, v47;
	v29 =	vand.u32 $0xFFFFFF80, v44;
	v38 =	vld.idx.msk [tilespmem:v13+s24+$0x0], $0xffff;
	v20 =	vadd.f32 v48, v20  }
0xc1: {  	s30 =	sadd.s32 $0x200, s26;
	v60 =	vadd.s32 v3, v27;
	v28 =	vand.u32 $0x7F, v44;
	v29 =	vadd.s32 s8, v29;
	v13 =	vld [tilespmem:s0+$0xFFFFFF00]  }
0xc2: {  	v22 =	vadd.s32 s14, v22;
	v29 =	vor.u32 v28, v29;
	v37 =	vadd.f32 v37, v14;
	v14 =	vld [tilespmem:s0+$0xFFFFFF80];
	[tilespmem:s30+$0x80] =	vst v20  }
0xc3: {  	[tilespmem:s25+$0xB0] =	vst v16;
	v25 =	vadd.f32 v25, v30;
	v30 =	vadd.s32 s7, v61;
	v41 =	vand.u32 $0xFFFFFF80, v39;
	v55 =	vld.idx.msk [tilespmem:v21+s24+$0x0], $0xffff  }
0xc4: {  	v39 =	vand.u32 $0x7F, v39;
	v16 =	vand.u32 $0xFFFFFF80, v60;
	v19 =	vadd.f32 v42, v19;
	[tilespmem:s30+$0xFFFFFF00] =	vst v37;
	v56 =	vld [tilespmem:s29+$0xFFFFFFE0]  }
0xc5: {  	v63 =	vand.u32 $0x7F, v60;
	v52 =	vadd.s32 s9, v41;
	v32 =	vld.idx.msk [tilespmem:v32+s24+$0x0], $0xffff;
	v33 =	vadd.f32 v51, v38  }
0xc6: {  	v16 =	vadd.s32 s9, v16;
	v43 =	vand.u32 $0xFFFFFF80, v40;
	v37 =	vand.u32 $0x7F, v57;
	v59 =	vld [tilespmem:s29+$0xFFFFFE60];
	[tilespmem:s30+$0x0] =	vst v19  }
0xc7: {  	v28 =	vand.u32 $0xFFFFFF80, v50;
	v19 =	vadd.s32 v3, v23;
	v37 =	vor.u32 v37, v22;
	v23 =	vld.idx.msk [tilespmem:v29+s24+$0x0], $0xffff;
	[tilespmem:s30+$0xFFFFFF80] =	vst v33  }
0xc8: {  	v16 =	vor.u32 v63, v16;
	v36 =	vand.u32 $0x7F, v50;
	v28 =	vadd.s32 s7, v28;
	v27 =	vld.idx.msk [tilespmem:v31+s24+$0x0], $0xffff  }
0xc9: {  	v53 =	vadd.s32 s8, v43;
	v28 =	vor.u32 v36, v28;
	v31 =	vld [tilespmem:s29+$0xFFFFFEE0];
	v34 =	vadd.f32 v56, v55  }
0xca: {  	s15 =	sand.u32 $0x70, s3;
	[tilespmem:s26+$0xFFFFFF20] =	vst v62;
	v20 =	vor.u32 v39, v52;
	v29 =	vadd.f32 v18, v24;
	v17 =	vand.u32 $0xFFFFFF80, v19;
	v22 =	vld [tilespmem:s29+$0xFFFFFF60]  }
0xcb: {  	v24 =	vld.idx.msk [tilespmem:v4+s15+$0x0 ss:$0x1], $0xffff;
	v18 =	vadd.s32 s8, v17;
	v17 =	vand.u32 $0x7F, v58;
	v26 =	vadd.f32 v59, v32;
	[tilespmem:s30+$0x90] =	vst v34  }
0xcc: {  	s31 =	sor.u32 $0x11600, s31;
	[tilespmem:s26+$0xB0] =	vst v46;
	s0 =	sadd.s32 s6, s22;
	s15 =	simm.s32 $0x10;
	v19 =	vand.u32 $0x7F, v19;
	v21 =	vor.u32 v54, v53;
	v17 =	vor.u32 v17, v30;
	v30 =	vld.idx.msk [tilespmem:v37+s24+$0x0], $0xffff  }
.LBB2_5:
0xcd: {  	p1 =	slt.u32 s15, $0x7C;
	[tilespmem:s30+$0xFFFFFF10] =	vst v26;
	v32 =	vor.u32 v19, v18;
	v26 =	vld [tilespmem:s29+$0xFFFFFFF0];
	v15 =	vadd.s32 v3, v15;
	v11 =	vadd.f32 v11, v6  }
0xce: {  	s7 =	sadd.s32 $0x2, s3;
	v9 =	vadd.f32 v13, v9;
	v18 =	vld.idx.msk [tilespmem:v28+s24+$0x0], $0xffff;
	v6 =	vadd.f32 v31, v27;
	v27 =	vand.u32 $0xFFFFFF80, v15;
	[tilespmem:s26+$0xFFFFFFA0] =	vst v29  }
0xcf: {  	s7 =	sand.u32 $0xE, s7;
	v15 =	vand.u32 $0x7F, v15;
	v19 =	vld [tilespmem:s29+$0xFFFFFE70];
	v13 =	vadd.f32 v22, v23;
	v22 =	vadd.s32 s14, v27;
	[tilespmem:s26+$0x20] =	vst v25  }
0xd0: {  	v8 =	vadd.f32 v14, v8;
	v23 =	vmov s7;
	[tilespmem:s30+$0xFFFFFF90] =	vst v6;
	v28 =	vor.u32 v15, v22;
	v6 =	vld.idx.msk [tilespmem:v10+s24+$0x0], $0xffff;
	v10 =	vmovc v17  }
0xd1: {  	s8 =	sadd.s32 $0x3, s3;
	s7 =	sand.u32 $0xC, s15;
	v27 =	vperm.xlane v24, v12;
	v23 =	vperm.xlane v24, v23;
	v17 =	vld.idx.msk [tilespmem:v20+s24+$0x0], $0xffff;
	[tilespmem:s30+$0x10] =	vst v13  }
0xd2: {  	v12 =	vmov s7;
	v13 =	vmov s8;
	v22 =	vld.idx.msk [tilespmem:v21+s24+$0x0], $0xffff;
	v14 =	vadd.f32 v26, v30;
	[tilespmem:s25+$0xFFFFFF30] =	vst v11  }
0xd3: {  	v11 =	vadd.s32 v0, v27;
	v20 =	vadd.s32 v0, v23;
	v15 =	vperm.xlane v24, v13;
	v25 =	vld [tilespmem:s29+$0xFFFFFEF0];
	[tilespmem:s25+$0xFFFFFFB0] =	vst v9  }
0xd4: {  	s13 =	sshll.u32 s3, $0x7;
	s7 =	sadd.s32 $0x1, s3;
	s3 =	smov.u32 s15;
	v9 =	vand.u32 $0xFFFFFF80, v11;
	v11 =	vand.u32 $0x7F, v11;
	v13 =	vand.u32 $0xFFFFFF80, v20;
	v26 =	vld [tilespmem:s29+$0xFFFFFF70];
	[tilespmem:s30+$0xA0] =	vst v14  }
0xd5: {  	s8 =	sand.u32 $0xD, s7;
	s7 =	sshll.u32 s7, $0x7;
	v9 =	vadd.s32 s13, v9;
	v14 =	vand.u32 $0x7F, v20;
	v20 =	vadd.s32 v0, v15;
	v21 =	vld.idx.msk [tilespmem:v28+s24+$0x0], $0xffff;
	[tilespmem:s25+$0x30] =	vst v8;
	s25 =	smov.u32 s26  }
0xd6: {  	s2 =	sadd.s32 $0x4, s2;
	s14 =	sadd.s32 $0x100, s7;
	v28 =	vor.u32 v11, v9;
	v8 =	vmov s8;
	s8 =	sadd.s32 $0x80, s7;
	v9 =	vand.u32 $0xFFFFFF80, v20;
	v29 =	vld [tilespmem:s29+$0x0]  }
0xd7: {  	s9 =	smulhi.u32 $0x51EB851F, s2;
	s26 =	smov.u32 s30;
	v24 =	vperm.xlane v24, v8;
	v8 =	vand.u32 $0x7F, v20;
	v11 =	vadd.s32 s14, v9;
	v9 =	vld.idx.msk [tilespmem:v7+s24+$0x0], $0xffff;
	v7 =	vmovc v16  }
0xd8: {  	v13 =	vadd.s32 s8, v13;
	v16 =	vadd.s32 v1, v27;
	v20 =	vor.u32 v8, v11;
	v8 =	vld.idx.msk [tilespmem:v5+s24+$0x0], $0xffff;
	v5 =	vmovc v32  }
0xd9: {  	s9 =	sshrl.u32 s9, $0x6;
	v30 =	vadd.s32 v0, v24;
	v31 =	vadd.s32 v1, v24;
	v32 =	vor.u32 v14, v13;
	v11 =	vld [tilespmem:s28+$0xFFFFFE80]  }
0xda: {  	s9 =	smul.u32 $0xFFFE7000, s9;
	v33 =	vadd.s32 v1, v23;
	v14 =	vand.u32 $0xFFFFFF80, v30;
	v30 =	vand.u32 $0x7F, v30;
	v13 =	vld [tilespmem:s28+$0xFFFFFF00]  }
0xdb: {  	v34 =	vand.u32 $0xFFFFFF80, v16;
	v14 =	vadd.s32 s7, v14;
	v28 =	vld.idx.msk [tilespmem:v28+s24+$0x0], $0xffff;
	v21 =	vadd.f32 v29, v21  }
0xdc: {  	s11 =	sadd.s32 $0x200, s11;
	s9 =	sshra.s32 s9, $0x2;
	v35 =	vand.u32 $0xFFFFFF80, v33;
	v29 =	vor.u32 v30, v14;
	v30 =	vand.u32 $0xFFFFFF80, v31;
	v14 =	vld [tilespmem:s28+$0xFFFFFF80];
	s28 =	smov.u32 s29  }
0xdd: {  	v16 =	vand.u32 $0x7F, v16;
	v34 =	vadd.s32 s13, v34;
	s29 =	sadd.s32 s9, s11;
	v30 =	vadd.s32 s7, v30;
	v20 =	vld.idx.msk [tilespmem:v20+s24+$0x0], $0xffff;
	[tilespmem:s30+$0xB0] =	vst v21  }
0xde: {  	v36 =	vadd.s32 v1, v15;
	v21 =	vand.u32 $0x7F, v31;
	v31 =	vadd.s32 s8, v35;
	v35 =	vld [tilespmem:s29+$0xFFFFFFD0]  }
0xdf: {  	v33 =	vand.u32 $0x7F, v33;
	v16 =	vor.u32 v16, v34;
	v34 =	vand.u32 $0xFFFFFF80, v36;
	v32 =	vld.idx.msk [tilespmem:v32+s24+$0x0], $0xffff  }
0xe0: {  	v34 =	vadd.s32 s14, v34;
	v30 =	vor.u32 v21, v30;
	v21 =	vand.u32 $0x7F, v36;
	v37 =	vld [tilespmem:s29+$0xFFFFFE50]  }
0xe1: {  	v36 =	vadd.s32 v2, v27;
	v31 =	vor.u32 v33, v31;
	v21 =	vor.u32 v21, v34;
	v29 =	vld.idx.msk [tilespmem:v29+s24+$0x0], $0xffff  }
0xe2: {  	v39 =	vadd.s32 v2, v23;
	v38 =	vadd.s32 v2, v24;
	v33 =	vand.u32 $0xFFFFFF80, v36;
	v34 =	vld [tilespmem:s29+$0xFFFFFED0]  }
0xe3: {  	v42 =	vand.u32 $0xFFFFFF80, v39;
	v40 =	vand.u32 $0xFFFFFF80, v38;
	v41 =	vld [tilespmem:s29+$0xFFFFFF50];
	v20 =	vadd.f32 v35, v20  }
0xe4: {  	s30 =	sadd.s32 $0x200, s30;
	v33 =	vadd.s32 s13, v33;
	v35 =	vadd.s32 s7, v40;
	v40 =	vadd.s32 s8, v42  }
0xe5: {  	v37 =	vadd.f32 v37, v28;
	v28 =	vand.u32 $0x7F, v36;
	v36 =	vand.u32 $0x7F, v38;
	[tilespmem:s30+$0x80] =	vst v20  }
0xe6: {  	v28 =	vor.u32 v28, v33;
	v20 =	vor.u32 v36, v35;
	v33 =	vand.u32 $0x7F, v39;
	v35 =	vld.idx.msk [tilespmem:v21+s24+$0x0], $0xffff  }
0xe7: {  	[tilespmem:s30+$0xFFFFFF00] =	vst v37;
	v29 =	vadd.f32 v34, v29;
	v21 =	vor.u32 v33, v40;
	v33 =	vld [tilespmem:s29+$0xFFFFFFE0];
	v34 =	vadd.s32 v2, v15  }
0xe8: {  	v36 =	vadd.s32 v3, v27;
	v16 =	vld.idx.msk [tilespmem:v16+s24+$0x0], $0xffff;
	v32 =	vadd.f32 v41, v32;
	v27 =	vand.u32 $0xFFFFFF80, v34  }
0xe9: {  	v38 =	vadd.s32 v3, v24;
	v24 =	vand.u32 $0x7F, v34;
	v37 =	vld [tilespmem:s29+$0xFFFFFE60];
	[tilespmem:s30+$0xFFFFFF80] =	vst v29;
	v29 =	vadd.s32 s14, v27  }
0xea: {  	v34 =	vand.u32 $0xFFFFFF80, v36;
	v27 =	vld.idx.msk [tilespmem:v30+s24+$0x0], $0xffff;
	[tilespmem:s30+$0x0] =	vst v32;
	v30 =	vadd.s32 v3, v23;
	v32 =	vor.u32 v24, v29  }
.Ltmp1:
0xeb: {  	v39 =	vadd.f32 v19, v18;
	v24 =	vand.u32 $0xFFFFFF80, v38;
	v29 =	vadd.f32 v25, v17;
	v23 =	vld.idx.msk [tilespmem:v31+s24+$0x0], $0xffff;
	(pc) =	sbr.rel @p1 .LBB2_5-.Ltmp1, $4  }
0xec: {  	v25 =	vadd.f32 v26, v22;
	v17 =	vand.u32 $0xFFFFFF80, v30;
	v31 =	vld [tilespmem:s29+$0xFFFFFEE0];
	v19 =	vadd.f32 v33, v35  }
0xed: {  	s9 =	sand.u32 $0x70, s15;
	v33 =	vadd.s32 s13, v34;
	v34 =	vadd.s32 s7, v24;
	v18 =	vadd.s32 s8, v17;
	v22 =	vld [tilespmem:s29+$0xFFFFFF60]  }
0xee: {  	v35 =	vand.u32 $0x7F, v38;
	v24 =	vld.idx.msk [tilespmem:v4+s9+$0x0 ss:$0x1], $0xffff;
	v26 =	vadd.f32 v37, v16;
	v16 =	vand.u32 $0x7F, v36;
	[tilespmem:s30+$0x90] =	vst v19  }
0xef: {  	s15 =	sadd.s32 $0x4, s15;
	v19 =	vand.u32 $0x7F, v30;
	v17 =	vor.u32 v16, v33;
	v16 =	vor.u32 v35, v34;
	v30 =	vld.idx.msk [tilespmem:v32+s24+$0x0], $0xffff;
	[tilespmem:s26+$0xFFFFFF20] =	vst v39  }
0xf0: {  	_ =	sdelay $0x2  }
0xf1: {  	[tilespmem:s30+$0xFFFFFF10] =	vst v26;
	v37 =	vld [tilespmem:s29+$0xFFFFFFF0]  }
0xf2: {  	v26 =	vld.idx.msk [tilespmem:v28+s24+$0x0], $0xffff  }
0xf3: {  	v4 =	vadd.s32 v3, v15;
	[tilespmem:s26+$0xFFFFFFA0] =	vst v29;
	v36 =	vadd.f32 v31, v27;
	v31 =	vld [tilespmem:s29+$0xFFFFFE70]  }
0xf4: {  	[tilespmem:s26+$0x20] =	vst v25;
	v38 =	vand.u32 $0xFFFFFF80, v4;
	v7 =	vld.idx.msk [tilespmem:v7+s24+$0x0], $0xffff  }
0xf5: {  	v4 =	vand.u32 $0x7F, v4;
	v5 =	vld.idx.msk [tilespmem:v5+s24+$0x0], $0xffff;
	v39 =	vadd.s32 s14, v38  }
0xf6: {  	s2 =	sadd.s32 $0x4, s2;
	[tilespmem:s30+$0xFFFFFF90] =	vst v36;
	v35 =	vor.u32 v4, v39;
	v4 =	vld.idx.msk [tilespmem:v10+s24+$0x0], $0xffff  }
0xf7: {  	s7 =	sadd.s32 $0x2, s3;
	s8 =	sadd.s32 $0x3, s3;
	s2 =	smulhi.u32 $0x51EB851F, s2;
	v23 =	vadd.f32 v22, v23;
	v22 =	vld.idx.msk [tilespmem:v20+s24+$0x0], $0xffff  }
0xf8: {  	s7 =	sand.u32 $0xE, s7;
	v40 =	vmov s8;
	s8 =	sadd.s32 $0x1, s3;
	v27 =	vld [tilespmem:s29+$0xFFFFFEF0]  }
0xf9: {  	v32 =	vmov s7;
	s7 =	sand.u32 $0xD, s8;
	v12 =	vperm.xlane v24, v12;
	v34 =	vperm.xlane v24, v40;
	s2 =	sshrl.u32 s2, $0x6;
	[tilespmem:s30+$0x10] =	vst v23;
	v20 =	vld [tilespmem:s28+$0xFFFFFE80]  }
0xfa: {  	v18 =	vor.u32 v19, v18;
	v15 =	vperm.xlane v24, v32;
	v46 =	vmov s7;
	s2 =	smul.u32 $0xFFFE7000, s2;
	v23 =	vld.idx.msk [tilespmem:v21+s24+$0x0], $0xffff  }
0xfb: {  	v33 =	vadd.s32 v0, v12;
	v28 =	vadd.s32 v0, v34;
	v43 =	vadd.f32 v37, v30;
	v21 =	vld [tilespmem:s28+$0xFFFFFF00]  }
0xfc: {  	s15 =	sadd.s32 $0x200, s11;
	s14 =	sshll.u32 s3, $0x7;
	v41 =	vand.u32 $0xFFFFFF80, v33;
	v45 =	vand.u32 $0xFFFFFF80, v28;
	v47 =	vand.u32 $0x7F, v28;
	v28 =	vld [tilespmem:s29+$0xFFFFFF70];
	s2 =	sshra.s32 s2, $0x2  }
0xfd: {  	s3 =	sshll.u32 s8, $0x7;
	v42 =	vand.u32 $0x7F, v33;
	v33 =	vperm.xlane v24, v46;
	v24 =	vld [tilespmem:s28+$0xFFFFFF80];
	v10 =	vadd.s32 s14, v41;
	s2 =	sadd.s32 s2, s15  }
0xfe: {  	s13 =	sadd.s32 $0x100, s3;
	v49 =	vadd.s32 v0, v15;
	v37 =	vadd.s32 v1, v34;
	v44 =	vor.u32 v42, v10;
	v55 =	vld [tilespmem:s2+$0xFFFFFFD0]  }
0xff: {  	v39 =	vadd.s32 v1, v12;
	v10 =	vadd.s32 s13, v45;
	v51 =	vadd.s32 v0, v33;
	v38 =	vld [tilespmem:s2+$0xFFFFFE50]  }
0x100: {  	v50 =	vand.u32 $0xFFFFFF80, v49;
	v60 =	vld [tilespmem:s2+$0xFFFFFED0];
	v48 =	vor.u32 v47, v10;
	v36 =	vand.u32 $0xFFFFFF80, v51  }
0x101: {  	s9 =	sadd.s32 $0x80, s3;
	v26 =	vadd.f32 v31, v26;
	[tilespmem:s30+$0xA0] =	vst v43;
	v42 =	vld [tilespmem:s2+$0xFFFFFF50];
	v32 =	vand.u32 $0x7F, v51;
	v53 =	vadd.s32 s3, v36  }
0x102: {  	v52 =	vand.u32 $0x7F, v49;
	v29 =	vadd.s32 s9, v50;
	v10 =	vld.idx.msk [tilespmem:v35+s24+$0x0], $0xffff;
	v32 =	vor.u32 v32, v53  }
0x103: {  	v29 =	vor.u32 v52, v29;
	[tilespmem:s30+$0xFFFFFF20] =	vst v26;
	v22 =	vadd.f32 v27, v22;
	v30 =	vld.idx.msk [tilespmem:v44+s24+$0x0], $0xffff  }
0x104: {  	v56 =	vand.u32 $0xFFFFFF80, v37;
	v37 =	vand.u32 $0x7F, v37;
	v40 =	vand.u32 $0xFFFFFF80, v39;
	v17 =	vld.idx.msk [tilespmem:v17+s24+$0x0], $0xffff  }
0x105: {  	v57 =	vand.u32 $0x7F, v39;
	v25 =	vadd.s32 s13, v56;
	v58 =	vadd.s32 s14, v40;
	[tilespmem:s30+$0xFFFFFFA0] =	vst v22;
	v54 =	vld.idx.msk [tilespmem:v48+s24+$0x0], $0xffff  }
0x106: {  	v25 =	vor.u32 v37, v25;
	v37 =	vor.u32 v57, v58;
	v23 =	vadd.f32 v28, v23;
	v16 =	vld.idx.msk [tilespmem:v16+s24+$0x0], $0xffff  }
0x107: {  	v59 =	vadd.s32 v1, v33;
	v32 =	vld.idx.msk [tilespmem:v32+s24+$0x0], $0xffff  }
0x108: {  	v41 =	vand.u32 $0xFFFFFF80, v59;
	v29 =	vld.idx.msk [tilespmem:v29+s24+$0x0], $0xffff;
	[tilespmem:s30+$0x20] =	vst v23;
	v30 =	vadd.f32 v38, v30  }
0x109: {  	s28 =	sadd.s32 $0x200, s30;
	v40 =	vand.u32 $0x7F, v59;
	v41 =	vadd.s32 s3, v41;
	v18 =	vld.idx.msk [tilespmem:v18+s24+$0x0], $0xffff  }
0x10a: {  	v61 =	vadd.s32 v1, v15;
	v40 =	vor.u32 v40, v41;
	v38 =	vld [tilespmem:s29+$0x0];
	v35 =	vadd.f32 v55, v54;
	[tilespmem:s28+$0xFFFFFF00] =	vst v30  }
0x10b: {  	v62 =	vand.u32 $0xFFFFFF80, v61;
	v45 =	vadd.s32 v2, v34;
	v48 =	vadd.s32 v2, v12;
	v37 =	vld.idx.msk [tilespmem:v37+s24+$0x0], $0xffff  }
0x10c: {  	v46 =	vand.u32 $0xFFFFFF80, v45;
	v51 =	vand.u32 $0xFFFFFF80, v48;
	[tilespmem:s28+$0x80] =	vst v35;
	v32 =	vadd.f32 v60, v32;
	v47 =	vld [tilespmem:s2+$0xFFFFFE60]  }
0x10d: {  	v36 =	vand.u32 $0x7F, v61;
	v53 =	vadd.s32 s14, v51;
	v35 =	vadd.s32 s9, v62;
	v25 =	vld.idx.msk [tilespmem:v25+s24+$0x0], $0xffff  }
0x10e: {  	v29 =	vadd.f32 v42, v29;
	v54 =	vand.u32 $0x7F, v48;
	v35 =	vor.u32 v36, v35;
	v63 =	vld [tilespmem:s2+$0xFFFFFFE0];
	[tilespmem:s28+$0xFFFFFF80] =	vst v32  }
0x10f: {  	v49 =	vand.u32 $0x7F, v45;
	v50 =	vadd.s32 s13, v46;
	v32 =	vor.u32 v54, v53;
	v40 =	vld.idx.msk [tilespmem:v40+s24+$0x0], $0xffff  }
0x110: {  	v57 =	vadd.s32 v2, v15;
	v52 =	vor.u32 v49, v50;
	v55 =	vadd.s32 v2, v33;
	[tilespmem:s28+$0x0] =	vst v29;
	v56 =	vld [tilespmem:s2+$0xFFFFFEE0]  }
0x111: {  	v58 =	vand.u32 $0xFFFFFF80, v55;
	v39 =	vand.u32 $0x7F, v55;
	v59 =	vld [tilespmem:s2+$0xFFFFFF60];
	v37 =	vadd.f32 v47, v37  }
0x112: {  	v30 =	vand.u32 $0x7F, v57;
	v60 =	vand.u32 $0xFFFFFF80, v57;
	v42 =	vadd.s32 s3, v58;
	v57 =	vld [tilespmem:s29+$0xFFFFFF80]  }
0x113: {  	v39 =	vor.u32 v39, v42;
	v35 =	vld.idx.msk [tilespmem:v35+s24+$0x0], $0xffff;
	v25 =	vadd.f32 v63, v25;
	[tilespmem:s28+$0xFFFFFF10] =	vst v37  }
0x114: {  	v32 =	vld.idx.msk [tilespmem:v32+s24+$0x0], $0xffff  }
0x115: {  	v6 =	vadd.f32 v11, v6;
	[tilespmem:s28+$0x90] =	vst v25;
	v25 =	vadd.s32 s9, v60;
	v63 =	vadd.f32 v56, v40;
	v42 =	vld [tilespmem:s2+$0xFFFFFE70]  }
0x116: {  	v9 =	vadd.f32 v13, v9;
	v8 =	vadd.f32 v14, v8;
	v29 =	vld.idx.msk [tilespmem:v52+s24+$0x0], $0xffff;
	v25 =	vor.u32 v30, v25  }
0x117: {  	v15 =	vadd.s32 v3, v15;
	v4 =	vadd.f32 v20, v4;
	v62 =	vadd.s32 v3, v34;
	v61 =	vld [tilespmem:s2+$0xFFFFFFF0];
	[tilespmem:s28+$0xFFFFFF90] =	vst v63  }
0x118: {  	v46 =	vadd.s32 v3, v33;
	v40 =	vand.u32 $0xFFFFFF80, v62;
	v35 =	vadd.f32 v59, v35;
	v34 =	vld.idx.msk [tilespmem:v39+s24+$0x0], $0xffff  }
0x119: {  	[tilespmem:s25+$0xFFFFFF30] =	vst v6;
	v49 =	vand.u32 $0xFFFFFF80, v46;
	v31 =	vand.u32 $0x7F, v62;
	v36 =	vadd.s32 s13, v40;
	v45 =	vld [tilespmem:s2+$0xFFFFFEF0]  }
0x11a: {  	v14 =	vand.u32 $0x7F, v46;
	v19 =	vadd.s32 s3, v49;
	v54 =	vld [tilespmem:s29+$0xFFFFFE80];
	v31 =	vor.u32 v31, v36;
	[tilespmem:s28+$0x10] =	vst v35  }
0x11b: {  	v14 =	vor.u32 v14, v19;
	v12 =	vadd.s32 v3, v12;
	v55 =	vadd.f32 v42, v32;
	v43 =	vld.idx.msk [tilespmem:v25+s24+$0x0], $0xffff  }
0x11c: {  	[tilespmem:s26+$0xFFFFFF30] =	vst v4;
	v51 =	vand.u32 $0xFFFFFF80, v15;
	v47 =	vand.u32 $0xFFFFFF80, v12;
	v44 =	vadd.f32 v61, v29;
	v48 =	vld [tilespmem:s2+$0xFFFFFF70]  }
0x11d: {  	v15 =	vand.u32 $0x7F, v15;
	v12 =	vand.u32 $0x7F, v12;
	v56 =	vld [tilespmem:s29+$0xFFFFFF00];
	v25 =	vadd.s32 s14, v47;
	[tilespmem:s28+$0xFFFFFF20] =	vst v55  }
0x11e: {  	v53 =	vadd.s32 s9, v51;
	v12 =	vor.u32 v12, v25;
	[tilespmem:s28+$0xA0] =	vst v44;
	v13 =	vadd.f32 v45, v34;
	v4 =	vld [tilespmem:s2+$0xFFFFFE80]  }
0x11f: {  	[tilespmem:s25+$0xFFFFFFB0] =	vst v9;
	v6 =	vor.u32 v15, v53;
	v50 =	vld.idx.msk [tilespmem:v31+s24+$0x0], $0xffff  }
0x120: {  	v7 =	vadd.f32 v21, v7;
	v52 =	vld [tilespmem:s2+$0x0];
	[tilespmem:s28+$0xFFFFFFA0] =	vst v13  }
0x121: {  	[tilespmem:s25+$0x30] =	vst v8;
	v11 =	vadd.f32 v48, v43;
	v58 =	vld.idx.msk [tilespmem:v14+s24+$0x0], $0xffff  }
0x122: {  	v5 =	vadd.f32 v24, v5;
	[tilespmem:s26+$0xFFFFFFB0] =	vst v7;
	v60 =	vld [tilespmem:s2+$0xFFFFFF00]  }
0x123: {  	v10 =	vadd.f32 v38, v10;
	v12 =	vld.idx.msk [tilespmem:v12+s24+$0x0], $0xffff;
	[tilespmem:s28+$0x20] =	vst v11  }
0x124: {  	[tilespmem:s26+$0x30] =	vst v5;
	v5 =	vadd.f32 v54, v17;
	v6 =	vld.idx.msk [tilespmem:v6+s24+$0x0], $0xffff  }
0x125: {  	[tilespmem:s30+$0xB0] =	vst v10;
	v63 =	vadd.f32 v57, v18;
	v61 =	vld [tilespmem:s2+$0xFFFFFF80]  }
0x126: {  	[tilespmem:s30+$0xFFFFFF30] =	vst v5;
	v62 =	vadd.f32 v56, v16  }
0x127: {  	[tilespmem:s30+$0x30] =	vst v63;
	v59 =	vadd.f32 v52, v50  }
0x128: {  	[tilespmem:s30+$0xFFFFFFB0] =	vst v62;
	v5 =	vadd.f32 v60, v58  }
0x129: {  	[tilespmem:s28+$0xB0] =	vst v59;
	v4 =	vadd.f32 v4, v12  }
0x12a: {  	[tilespmem:s28+$0xFFFFFFB0] =	vst v5;
	v6 =	vadd.f32 v61, v6  }
0x12b: {  	s0 =	sshll.u32 s0, $0xB;
	[tilespmem:s28+$0xFFFFFF30] =	vst v4  }
0x12c: {  	p1 =	sgt.u32 s22, $0x2F;
	s0 =	sadd.s32 s5, s0;
	[tilespmem:s28+$0x30] =	vst v6  }
0x12d: {  	[hbm4b:s0+s4] =	stream.linear.scatter [tilespmem:s31], [sflag:$0x2], $0x4000, $0x38;
	[tilespmem:$0x19600] =	vst v63  }
0x12e: {  	s0 =	sshrl.u32 @!p1 s23, $0x2  }
0x12f: {  	s22 =	sadd.s32 $0x1, s22;
	s2 =	simm.s32 @!p1 $0x80;
	s0 =	sadd.s32 @!p1 $0x100, s0  }
0x130: {  	[tilespmem:s24], [sflag:$0x1] =	stream.indirect.gather @!p1 [hbm4b:s1+s2], $0x80, s0, s2, $0xb8;
	[tilespmem:$0x19600] =	vst v63  }
0x131: {  	p1 =	sne.s32 s22, $0x32  }
.Ltmp2:
0x132: {  	_ = 	snop;
	(pc) =	sbr.rel @p1 .LBB2_4-.Ltmp2, $2  }
0x133: {  	_ =	sdelay $0x2  }
0x134: {  	p0 =	por !p0, !p0;
	s21 =	sadd.s32 $0x4000, s21;
	s20 =	sadd.s32 $0x80, s20  }
0x135: {  	_ =	swait.ge [sflag:s17], $0x4000  }
0x136: {  	[sflag:s17] =	ssyncset.done $0x0  }
0x137: {  	[sflag:s17] =	ssyncadd.s32 $0xFFFFC000  }
0x138: {  	_ =	swait.ge [sflag:s17], $0x4000  }
0x139: {  	s18 =	sadd.s32 $0x1, s18;
	s0 =	rddreg [dreg:$0x6]  }
0x13a: {  	p0 =	sne.s32 s18, s0  }
.Ltmp3:
0x13b: {  	_ = 	snop;
	(pc) =	sbr.rel @p0 .LBB2_1-.Ltmp3, $3  }
0x13c: {  	_ =	sdelay $0x1  }
0x13d: {  	[sflag:s17] =	ssyncset.done $0x0  }
0x13e: {  	[sflag:s17] =	ssyncadd.s32 $0xFFFFC000  }
0x13f: {  	_ =	sfence.sel $0x180000  }
0x140: {  	[bflag:$0x0] =	sbarrier.arrive $0xFFFF  }
0x141: {  	_ =	strace $0x90000047  }
0x142: {  	s0 =	stileid.u32;
	[bflag:$0x2] =	sbarrier.arrive $0xFFFF  }
0x143: {  	p0 =	sne.s32 s0, $0x0;
	s0 =	rddreg [dreg:$0x4]  }
0x144: {  	s0 =	sadd.s32 @!p0 $0x100000, s0  }
0x145: {  	[sflag:s0] =	ssyncadd.tile.s32 @!p0 $0x1;
	_ =	shalt  }
.Lfunc_end2:
_tile_overlayer_lowered:
.L_overlay_start_2:
0x146: {  	(tag) =	ssettag $0x2  }
0x147: {  	s0 =	rddreg [dreg:$0x0];
	s2 =	stileid.u32  }
0x148: {  	s1 =	rddreg [dreg:$0x1];
	p0 =	sne.s32 s2, $0x0  }
0x149: {  	s3 =	rddreg [dreg:$0x2];
	[bflag:$0x3] =	sbarrier.arrive $0xFFFF;
	s2 =	simm.s32 @!p0 $0x1C03  }
0x14a: {  	[timem:s3], [sflag:s2] =	dma.local @!p0 [hbm:s0], s1  }
0x14b: {  	s0 =	simm.s32 @!p0 $0x3  }
0x14c: {  	_ =	swait.ge @!p0 [sflag:s0], s1  }
0x14d: {  	s1 =	ssub.s32 @!p0 $0x0, s1;
	[sflag:s0] =	ssyncset.done @!p0 $0x0  }
0x14e: {  	[sflag:s0] =	ssyncadd.s32 @!p0 s1  }
0x14f: {  	[bflag:$0x3] =	sbarrier.arrive $0xFFFF  }
0x150: {  	_ =	shalt  }

</sc_bundles>
